<compile_context>
chip_gen: v7x
topology: tpu7x:2x2x1
jax: 0.10.2.dev20260603
libtpu: 0.0.44.dev20260713+nightly
codegen_flags: <defaults>
</compile_context>

<pallas_src>
import functools

import jax
import jax.numpy as jnp
from jax import lax
from jax.experimental import pallas as pl
from jax.experimental.pallas import tpu as pltpu
from jax.experimental.pallas import tpu_sc as plsc

N = 10000
E = 320000
H = 128
HW = H // 2

NC = 2
NS = 16
NW = NC * NS
EPW = E // NW
CH = 80
NCHUNK = EPW // CH
NP = 10240
RPT = NP // NS

_mesh = plsc.VectorSubcoreMesh(core_axis_name="c", subcore_axis_name="s")


@functools.partial(
    pl.kernel,
    mesh=_mesh,
    out_type=(jax.ShapeDtypeStruct((E, HW), jnp.int32),
              jax.ShapeDtypeStruct((E, HW), jnp.int32)),
    scratch_types=[
        pltpu.VMEM((CH,), jnp.int32),
        pltpu.VMEM((CH,), jnp.int32),
        pltpu.VMEM((CH,), jnp.int32),
        pltpu.VMEM((CH,), jnp.int32),
        pltpu.VMEM((CH, HW), jnp.int32),
        pltpu.VMEM((CH, HW), jnp.int32),
        pltpu.VMEM((CH, HW), jnp.int32),
        pltpu.VMEM((CH, HW), jnp.int32),
        pltpu.SemaphoreType.DMA,
        pltpu.SemaphoreType.DMA,
        pltpu.SemaphoreType.DMA,
        pltpu.SemaphoreType.DMA,
    ],
    compiler_params=pltpu.CompilerParams(use_tc_tiling_on_sc=False),
)
def _sc_gather(nf, snd, rcv, sf_out, rf_out,
               idx_s0, idx_r0, idx_s1, idx_r1,
               rows_s0, rows_r0, rows_s1, rows_r1,
               sem_s0, sem_r0, sem_s1, sem_r1):
    w = lax.axis_index("s") * NC + lax.axis_index("c")
    base0 = w * EPW
    bufs = ((idx_s0, idx_r0, rows_s0, rows_r0, sem_s0, sem_r0),
            (idx_s1, idx_r1, rows_s1, rows_r1, sem_s1, sem_r1))

    def prefetch(j, b):
        idx_s, idx_r, rows_s, rows_r, sem_s, sem_r = bufs[b]
        base = base0 + j * CH
        pltpu.sync_copy(snd.at[pl.ds(base, CH)], idx_s)
        pltpu.sync_copy(rcv.at[pl.ds(base, CH)], idx_r)
        pltpu.async_copy(nf.at[idx_s], rows_s, sem_s)
        pltpu.async_copy(nf.at[idx_r], rows_r, sem_r)

    def drain(j, b):
        idx_s, idx_r, rows_s, rows_r, sem_s, sem_r = bufs[b]
        base = base0 + j * CH
        pltpu.make_async_copy(nf.at[idx_s], rows_s, sem_s).wait()
        pltpu.make_async_copy(nf.at[idx_r], rows_r, sem_r).wait()
        pltpu.sync_copy(rows_s, sf_out.at[pl.ds(base, CH)])
        pltpu.sync_copy(rows_r, rf_out.at[pl.ds(base, CH)])

    prefetch(0, 0)

    def body(t, carry):
        j0 = 2 * t
        prefetch(j0 + 1, 1)
        drain(j0, 0)
        prefetch(j0 + 2, 0)
        drain(j0 + 1, 1)
        return carry

    lax.fori_loop(0, (NCHUNK - 1) // 2, body, 0)
    drain(NCHUNK - 1, 0)


@functools.partial(
    pl.kernel,
    mesh=_mesh,
    out_type=jax.ShapeDtypeStruct((NC, NP, H), jnp.float32),
    scratch_types=[
        pltpu.VMEM((CH,), jnp.int32),
        pltpu.VMEM((CH,), jnp.int32),
        pltpu.VMEM((CH, H), jnp.float32),
        pltpu.VMEM((CH, H), jnp.float32),
        pltpu.VMEM_SHARED((NP, H), jnp.float32),
        pltpu.SemaphoreType.DMA,
        pltpu.SemaphoreType.DMA,
        pltpu.SemaphoreType.DMA,
        pltpu.SemaphoreType.DMA,
    ],
)
def _sc_scatter(mlp, rcv, zeros, acc_out,
                idx0, idx1, rows0, rows1, shared,
                semi0, semr0, semi1, semr1):
    c = lax.axis_index("c")
    s = lax.axis_index("s")
    pltpu.sync_copy(zeros.at[pl.ds(s * RPT, RPT)],
                    shared.at[pl.ds(s * RPT, RPT)])
    plsc.subcore_barrier()
    base0 = c * (E // NC) + s * EPW
    bufs = ((idx0, rows0, semi0, semr0), (idx1, rows1, semi1, semr1))

    def prefetch(j, b):
        idx_v, rows_v, semi, semr = bufs[b]
        base = base0 + j * CH
        pltpu.async_copy(rcv.at[pl.ds(base, CH)], idx_v, semi)
        pltpu.async_copy(mlp.at[pl.ds(base, CH)], rows_v, semr)

    def drain(j, b):
        idx_v, rows_v, semi, semr = bufs[b]
        base = base0 + j * CH
        pltpu.make_async_copy(rcv.at[pl.ds(base, CH)], idx_v, semi).wait()
        pltpu.make_async_copy(mlp.at[pl.ds(base, CH)], rows_v, semr).wait()
        pltpu.sync_copy(rows_v, shared.at[idx_v], add=True)

    prefetch(0, 0)

    def body(t, carry):
        j0 = 2 * t
        prefetch(j0 + 1, 1)
        drain(j0, 0)
        prefetch(j0 + 2, 0)
        drain(j0 + 1, 1)
        return carry

    lax.fori_loop(0, (NCHUNK - 1) // 2, body, 0)
    drain(NCHUNK - 1, 0)
    plsc.subcore_barrier()
    pltpu.sync_copy(shared.at[pl.ds(s * RPT, RPT)],
                    acc_out.at[c].at[pl.ds(s * RPT, RPT)])


def _edge_body(sf, rf, ef, w1s, w1r, w1e, b1, w2, b2, w3, b3, g, bt,
               mlp_o, ne_o):
    ef_b = ef[...].astype(jnp.bfloat16)
    x = (jnp.dot(sf[...], w1s[...], preferred_element_type=jnp.float32)
         + jnp.dot(rf[...], w1r[...], preferred_element_type=jnp.float32)
         + jnp.dot(ef_b, w1e[...], preferred_element_type=jnp.float32)
         + b1[...])
    h = jnp.maximum(x, 0.0).astype(jnp.bfloat16)
    h = jnp.maximum(
        jnp.dot(h, w2[...], preferred_element_type=jnp.float32) + b2[...],
        0.0).astype(jnp.bfloat16)
    h = jnp.dot(h, w3[...], preferred_element_type=jnp.float32) + b3[...]
    mu = jnp.mean(h, axis=-1, keepdims=True)
    d = h - mu
    var = jnp.mean(d * d, axis=-1, keepdims=True)
    o = d * lax.rsqrt(var + 1e-5) * g[...] + bt[...]
    mlp_o[...] = o
    ne_o[...] = o + ef[...]


def _node_body(nf, acc, w1a, w1b, b1, w2, b2, w3, b3, g, bt, out):
    a = acc[0] + acc[1]
    x = (jnp.dot(nf[...], w1a[...], preferred_element_type=jnp.float32)
         + jnp.dot(a, w1b[...], preferred_element_type=jnp.float32)
         + b1[...])
    h = jnp.maximum(x, 0.0)
    h = jnp.maximum(
        jnp.dot(h, w2[...], preferred_element_type=jnp.float32) + b2[...], 0.0)
    h = jnp.dot(h, w3[...], preferred_element_type=jnp.float32) + b3[...]
    mu = jnp.mean(h, axis=-1, keepdims=True)
    d = h - mu
    var = jnp.mean(d * d, axis=-1, keepdims=True)
    o = d * lax.rsqrt(var + 1e-5) * g[...] + bt[...]
    out[...] = o + nf[...]


BE = 2000
BN = 1000


def _full(shape):
    return pl.BlockSpec(shape, lambda i: (0,) * len(shape))


def _edge_mlp(sf, rf, ef, w1s, w1r, w1e, b1, w2, b2, w3, b3, g, bt):
    row = pl.BlockSpec((BE, H), lambda i: (i, 0))
    wspec = _full((H, H))
    vspec = _full((1, H))
    return pl.pallas_call(
        _edge_body,
        grid=(E // BE,),
        in_specs=[row, row, row, wspec, wspec, wspec, vspec, wspec, vspec,
                  wspec, vspec, vspec, vspec],
        out_specs=[row, row],
        out_shape=(jax.ShapeDtypeStruct((E, H), jnp.float32),
                   jax.ShapeDtypeStruct((E, H), jnp.float32)),
    )(sf, rf, ef, w1s, w1r, w1e, b1, w2, b2, w3, b3, g, bt)


def _node_mlp(nf, acc, w1a, w1b, b1, w2, b2, w3, b3, g, bt):
    row = pl.BlockSpec((BN, H), lambda i: (i, 0))
    accspec = pl.BlockSpec((NC, BN, H), lambda i: (0, i, 0))
    wspec = _full((H, H))
    vspec = _full((1, H))
    return pl.pallas_call(
        _node_body,
        grid=(N // BN,),
        in_specs=[row, accspec, wspec, wspec, vspec, wspec, vspec, wspec,
                  vspec, vspec, vspec],
        out_specs=row,
        out_shape=jax.ShapeDtypeStruct((N, H), jnp.float32),
    )(nf, acc, w1a, w1b, b1, w2, b2, w3, b3, g, bt)


def kernel(senders, receivers, node_features, edge_features,
           We1, be1, We2, be2, We3, be3, ge, bte,
           Wn1, bn1, Wn2, bn2, Wn3, bn3, gn, btn):
    snd = senders[0].astype(jnp.int32)
    rcv = receivers[0].astype(jnp.int32)
    nf = node_features[0]
    ef = edge_features[0]

    nf_i = lax.bitcast_convert_type(
        node_features[0].astype(jnp.bfloat16).reshape(N, HW, 2), jnp.int32)
    sf_i, rf_i = _sc_gather(nf_i, snd, rcv)
    sf = lax.bitcast_convert_type(sf_i, jnp.bfloat16).reshape(E, H)
    rf = lax.bitcast_convert_type(rf_i, jnp.bfloat16).reshape(E, H)

    mlp_out, new_edge = _edge_mlp(
        sf, rf, ef,
        We1[0:H].astype(jnp.bfloat16), We1[H:2 * H].astype(jnp.bfloat16),
        We1[2 * H:3 * H].astype(jnp.bfloat16), be1.reshape(1, H),
        We2.astype(jnp.bfloat16), be2.reshape(1, H),
        We3.astype(jnp.bfloat16), be3.reshape(1, H),
        ge.reshape(1, H), bte.reshape(1, H))

    zeros = jnp.zeros((NP, H), jnp.float32)
    acc2 = _sc_scatter(mlp_out, rcv, zeros)

    new_node = _node_mlp(
        nf, acc2,
        Wn1[0:H], Wn1[H:2 * H], bn1.reshape(1, H),
        Wn2, bn2.reshape(1, H), Wn3, bn3.reshape(1, H),
        gn.reshape(1, H), btn.reshape(1, H))

    return new_node[None], new_edge[None]

# --- scband reference (transcript-rebuilt; emitter-appended) ---
"""Pipeline reference for scband-graph-net-block-32487132627389 (READ-ONLY COPY).

The authoritative reference and input builder live on the scoring server;
editing this copy changes nothing except your own understanding.
"""

import jax, jax.numpy as jnp
import numpy as np

B = 1
N = 10000
E = 320000
H = 128


def _mlp(x, W1, b1, W2, b2, W3, b3, g, bt):
    h = jax.nn.relu(x @ W1 + b1)
    h = jax.nn.relu(h @ W2 + b2)
    h = h @ W3 + b3
    mu = jnp.mean(h, axis=-1, keepdims=True)
    var = jnp.var(h, axis=-1, keepdims=True)
    return (h - mu) / jnp.sqrt(var + 1e-5) * g + bt


def setup_inputs(seed: int = 0) -> dict:
    key = jax.random.key(seed)
    ks = jax.random.split(key, 12)
    def lin(k, i, o):
        return jax.random.normal(k, (i, o), jnp.float32) * (1.0 / np.sqrt(i))
    inp = {}
    inp["senders"] = jax.random.randint(ks[0], (B, E), 0, N, dtype=jnp.int64) if jax.config.read('jax_enable_x64') else jax.random.randint(ks[0], (B, E), 0, N)
    inp["receivers"] = jax.random.randint(ks[1], (B, E), 0, N)
    inp["node_features"] = jax.random.normal(ks[2], (B, N, H), jnp.float32)
    inp["edge_features"] = jax.random.normal(ks[3], (B, E, H), jnp.float32)
    inp["We1"] = lin(ks[4], 3 * H, H); inp["be1"] = jnp.zeros((H,), jnp.float32)
    inp["We2"] = lin(ks[5], H, H); inp["be2"] = jnp.zeros((H,), jnp.float32)
    inp["We3"] = lin(ks[6], H, H); inp["be3"] = jnp.zeros((H,), jnp.float32)
    inp["ge"] = jnp.ones((H,), jnp.float32); inp["bte"] = jnp.zeros((H,), jnp.float32)
    inp["Wn1"] = lin(ks[7], 2 * H, H); inp["bn1"] = jnp.zeros((H,), jnp.float32)
    inp["Wn2"] = lin(ks[8], H, H); inp["bn2"] = jnp.zeros((H,), jnp.float32)
    inp["Wn3"] = lin(ks[9], H, H); inp["bn3"] = jnp.zeros((H,), jnp.float32)
    inp["gn"] = jnp.ones((H,), jnp.float32); inp["btn"] = jnp.zeros((H,), jnp.float32)
    return inp


def reference(senders, receivers, node_features, edge_features,
              We1, be1, We2, be2, We3, be3, ge, bte,
              Wn1, bn1, Wn2, bn2, Wn3, bn3, gn, btn):
    # update_edges: gather sender/receiver node features, concat with edge features, MLP
    sf = jnp.take_along_axis(node_features, senders[:, :, None], axis=1)
    rf = jnp.take_along_axis(node_features, receivers[:, :, None], axis=1)
    feat = jnp.concatenate([sf, rf, edge_features], axis=-1)
    new_edge = _mlp(feat, We1, be1, We2, be2, We3, be3, ge, bte)
    # update_nodes: scatter-add new edge features onto receiver nodes, concat, MLP
    acc = jax.vmap(lambda ef, r: jax.ops.segment_sum(ef, r, num_segments=N))(new_edge, receivers)
    nfeat = jnp.concatenate([node_features, acc], axis=-1)
    new_node = _mlp(nfeat, Wn1, bn1, Wn2, bn2, Wn3, bn3, gn, btn)
    new_node = new_node + node_features
    new_edge = new_edge + edge_features
    return (new_node, new_edge)

if __name__ == "__main__":
    import jax
    _d = setup_inputs()
    print(jax.jit(kernel)(*tuple(_d.values())))

</pallas_src>

<mosaic_0001>
#map = affine_map<(d0, d1) -> (0, 0)>
#map1 = affine_map<(d0, d1) -> (0)>
module attributes {stable_mosaic.version = 14 : i64} {
  func.func @_sc_gather(%arg0: i32, %arg1: i32, %arg2: memref<10000x64xi32, #tpu.memory_space<hbm>>, %arg3: memref<320000xi32, #tpu.memory_space<hbm>>, %arg4: memref<320000xi32, #tpu.memory_space<hbm>>, %arg5: memref<320000x64xi32, #tpu.memory_space<hbm>>, %arg6: memref<320000x64xi32, #tpu.memory_space<hbm>>, %arg7: memref<80xi32, #tpu.memory_space<vmem>>, %arg8: memref<80xi32, #tpu.memory_space<vmem>>, %arg9: memref<80xi32, #tpu.memory_space<vmem>>, %arg10: memref<80xi32, #tpu.memory_space<vmem>>, %arg11: memref<80x64xi32, #tpu.memory_space<vmem>>, %arg12: memref<80x64xi32, #tpu.memory_space<vmem>>, %arg13: memref<80x64xi32, #tpu.memory_space<vmem>>, %arg14: memref<80x64xi32, #tpu.memory_space<vmem>>, %arg15: memref<!tpu.dma_semaphore, #tpu.memory_space<semaphore_mem>>, %arg16: memref<!tpu.dma_semaphore, #tpu.memory_space<semaphore_mem>>, %arg17: memref<!tpu.dma_semaphore, #tpu.memory_space<semaphore_mem>>, %arg18: memref<!tpu.dma_semaphore, #tpu.memory_space<semaphore_mem>>) attributes {dimension_semantics = [#tpu.dimension_semantics<core_parallel>, #tpu.dimension_semantics<subcore_parallel>], iteration_bounds = array<i64: 2, 16>, scalar_prefetch = 0 : i64, scratch_operands = 12 : i64, tpu.core_type = #tpu.core_type<sc_vector_subcore>, window_params = [{transform_indices = #map}, {transform_indices = #map1}, {transform_indices = #map1}, {transform_indices = #map}, {transform_indices = #map}]} {
    %mul3A = arith.constant 2 : i32
    %mul3A_0 = arith.muli %arg1, %mul3A : i32
    %add3A = arith.addi %mul3A_0, %arg0 : i32
    %mul3A_1 = arith.constant 10000 : i32
    %mul3A_2 = arith.muli %add3A, %mul3A_1 : i32
    %add3A_3 = arith.constant 0 : i32
    %add3A_4 = arith.addi %mul3A_2, %add3A_3 : i32
    "tpu.region"() ({
      %run_scoped3A = tpu.sem_alloc : memref<!tpu.dma_semaphore, #tpu.memory_space<semaphore_mem>>
      %dma_start3A_22 = tpu.memref_slice %arg3[%add3A_4] : memref<320000xi32, #tpu.memory_space<hbm>> -> memref<80xi32, #tpu.memory_space<hbm>>
      %dma_start3A_23 = tpu.memref_slice %arg3[%add3A_4] : memref<320000xi32, #tpu.memory_space<hbm>> -> memref<80xi32, #tpu.memory_space<hbm>>
      tpu.enqueue_dma source(%dma_start3A_23 : memref<80xi32, #tpu.memory_space<hbm>>) target(%arg7 : memref<80xi32, #tpu.memory_space<vmem>>) target_semaphore(%run_scoped3A : memref<!tpu.dma_semaphore, #tpu.memory_space<semaphore_mem>>)
      %dma_wait3A_24 = tpu.memref_slice %arg3[%add3A_4] : memref<320000xi32, #tpu.memory_space<hbm>> -> memref<80xi32, #tpu.memory_space<hbm>>
      %dma_wait3A_25 = tpu.memref_slice %arg3[%add3A_4] : memref<320000xi32, #tpu.memory_space<hbm>> -> memref<80xi32, #tpu.memory_space<hbm>>
      tpu.wait_dma2 semaphore(%run_scoped3A : memref<!tpu.dma_semaphore, #tpu.memory_space<semaphore_mem>>) src(%dma_wait3A_25 : memref<80xi32, #tpu.memory_space<hbm>>) dst(%arg7 : memref<80xi32, #tpu.memory_space<vmem>>)
      tpu.yield
    }) : () -> ()
    "tpu.region"() ({
      %run_scoped3A = tpu.sem_alloc : memref<!tpu.dma_semaphore, #tpu.memory_space<semaphore_mem>>
      %dma_start3A_22 = tpu.memref_slice %arg4[%add3A_4] : memref<320000xi32, #tpu.memory_space<hbm>> -> memref<80xi32, #tpu.memory_space<hbm>>
      %dma_start3A_23 = tpu.memref_slice %arg4[%add3A_4] : memref<320000xi32, #tpu.memory_space<hbm>> -> memref<80xi32, #tpu.memory_space<hbm>>
      tpu.enqueue_dma source(%dma_start3A_23 : memref<80xi32, #tpu.memory_space<hbm>>) target(%arg8 : memref<80xi32, #tpu.memory_space<vmem>>) target_semaphore(%run_scoped3A : memref<!tpu.dma_semaphore, #tpu.memory_space<semaphore_mem>>)
      %dma_wait3A_24 = tpu.memref_slice %arg4[%add3A_4] : memref<320000xi32, #tpu.memory_space<hbm>> -> memref<80xi32, #tpu.memory_space<hbm>>
      %dma_wait3A_25 = tpu.memref_slice %arg4[%add3A_4] : memref<320000xi32, #tpu.memory_space<hbm>> -> memref<80xi32, #tpu.memory_space<hbm>>
      tpu.wait_dma2 semaphore(%run_scoped3A : memref<!tpu.dma_semaphore, #tpu.memory_space<semaphore_mem>>) src(%dma_wait3A_25 : memref<80xi32, #tpu.memory_space<hbm>>) dst(%arg8 : memref<80xi32, #tpu.memory_space<vmem>>)
      tpu.yield
    }) : () -> ()
    %dma_start3A = arith.constant 0 : i32
    %dma_start3A_5 = arith.constant 0 : i32
    %dma_start3A_6 = tpu.memref_slice %arg2[%dma_start3A, %dma_start3A_5] : memref<10000x64xi32, #tpu.memory_space<hbm>> -> memref<10000x64xi32, #tpu.memory_space<hbm>>
    tpu.enqueue_indirect_dma source(%dma_start3A_6 : memref<10000x64xi32, #tpu.memory_space<hbm>>) target(%arg11 : memref<80x64xi32, #tpu.memory_space<vmem>>) offsets(%arg7 : memref<80xi32, #tpu.memory_space<vmem>>) semaphore(%arg15 : memref<!tpu.dma_semaphore, #tpu.memory_space<semaphore_mem>>)
    %dma_start3A_7 = arith.constant 0 : i32
    %dma_start3A_8 = arith.constant 0 : i32
    %dma_start3A_9 = tpu.memref_slice %arg2[%dma_start3A_7, %dma_start3A_8] : memref<10000x64xi32, #tpu.memory_space<hbm>> -> memref<10000x64xi32, #tpu.memory_space<hbm>>
    tpu.enqueue_indirect_dma source(%dma_start3A_9 : memref<10000x64xi32, #tpu.memory_space<hbm>>) target(%arg12 : memref<80x64xi32, #tpu.memory_space<vmem>>) offsets(%arg8 : memref<80xi32, #tpu.memory_space<vmem>>) semaphore(%arg16 : memref<!tpu.dma_semaphore, #tpu.memory_space<semaphore_mem>>)
    %scan3A = arith.constant 0 : i32
    %scan3A_10 = arith.constant 0 : i32
    %scan3A_11 = arith.constant 62 : i32
    %scan3A_12 = arith.addi %scan3A_10, %scan3A_11 : i32
    %scan3A_13 = arith.constant 1 : i32
    scf.for %scan3A_22 = %scan3A_10 to %scan3A_12 step %scan3A_13  : i32 {
      %mul3A_23 = arith.constant 2 : i32
      %mul3A_24 = arith.muli %mul3A_23, %scan3A_22 : i32
      %add3A_25 = arith.constant 1 : i32
      %add3A_26 = arith.addi %mul3A_24, %add3A_25 : i32
      %mul3A_27 = arith.constant 80 : i32
      %mul3A_28 = arith.muli %add3A_26, %mul3A_27 : i32
      %add3A_29 = arith.addi %mul3A_2, %mul3A_28 : i32
      "tpu.region"() ({
        %run_scoped3A = tpu.sem_alloc : memref<!tpu.dma_semaphore, #tpu.memory_space<semaphore_mem>>
        %dma_start3A_67 = tpu.memref_slice %arg3[%add3A_29] : memref<320000xi32, #tpu.memory_space<hbm>> -> memref<80xi32, #tpu.memory_space<hbm>>
        %dma_start3A_68 = tpu.memref_slice %arg3[%add3A_29] : memref<320000xi32, #tpu.memory_space<hbm>> -> memref<80xi32, #tpu.memory_space<hbm>>
        tpu.enqueue_dma source(%dma_start3A_68 : memref<80xi32, #tpu.memory_space<hbm>>) target(%arg9 : memref<80xi32, #tpu.memory_space<vmem>>) target_semaphore(%run_scoped3A : memref<!tpu.dma_semaphore, #tpu.memory_space<semaphore_mem>>)
        %dma_wait3A_69 = tpu.memref_slice %arg3[%add3A_29] : memref<320000xi32, #tpu.memory_space<hbm>> -> memref<80xi32, #tpu.memory_space<hbm>>
        %dma_wait3A_70 = tpu.memref_slice %arg3[%add3A_29] : memref<320000xi32, #tpu.memory_space<hbm>> -> memref<80xi32, #tpu.memory_space<hbm>>
        tpu.wait_dma2 semaphore(%run_scoped3A : memref<!tpu.dma_semaphore, #tpu.memory_space<semaphore_mem>>) src(%dma_wait3A_70 : memref<80xi32, #tpu.memory_space<hbm>>) dst(%arg9 : memref<80xi32, #tpu.memory_space<vmem>>)
        tpu.yield
      }) : () -> ()
      "tpu.region"() ({
        %run_scoped3A = tpu.sem_alloc : memref<!tpu.dma_semaphore, #tpu.memory_space<semaphore_mem>>
        %dma_start3A_67 = tpu.memref_slice %arg4[%add3A_29] : memref<320000xi32, #tpu.memory_space<hbm>> -> memref<80xi32, #tpu.memory_space<hbm>>
        %dma_start3A_68 = tpu.memref_slice %arg4[%add3A_29] : memref<320000xi32, #tpu.memory_space<hbm>> -> memref<80xi32, #tpu.memory_space<hbm>>
        tpu.enqueue_dma source(%dma_start3A_68 : memref<80xi32, #tpu.memory_space<hbm>>) target(%arg10 : memref<80xi32, #tpu.memory_space<vmem>>) target_semaphore(%run_scoped3A : memref<!tpu.dma_semaphore, #tpu.memory_space<semaphore_mem>>)
        %dma_wait3A_69 = tpu.memref_slice %arg4[%add3A_29] : memref<320000xi32, #tpu.memory_space<hbm>> -> memref<80xi32, #tpu.memory_space<hbm>>
        %dma_wait3A_70 = tpu.memref_slice %arg4[%add3A_29] : memref<320000xi32, #tpu.memory_space<hbm>> -> memref<80xi32, #tpu.memory_space<hbm>>
        tpu.wait_dma2 semaphore(%run_scoped3A : memref<!tpu.dma_semaphore, #tpu.memory_space<semaphore_mem>>) src(%dma_wait3A_70 : memref<80xi32, #tpu.memory_space<hbm>>) dst(%arg10 : memref<80xi32, #tpu.memory_space<vmem>>)
        tpu.yield
      }) : () -> ()
      %dma_start3A_30 = arith.constant 0 : i32
      %dma_start3A_31 = arith.constant 0 : i32
      %dma_start3A_32 = tpu.memref_slice %arg2[%dma_start3A_30, %dma_start3A_31] : memref<10000x64xi32, #tpu.memory_space<hbm>> -> memref<10000x64xi32, #tpu.memory_space<hbm>>
      tpu.enqueue_indirect_dma source(%dma_start3A_32 : memref<10000x64xi32, #tpu.memory_space<hbm>>) target(%arg13 : memref<80x64xi32, #tpu.memory_space<vmem>>) offsets(%arg9 : memref<80xi32, #tpu.memory_space<vmem>>) semaphore(%arg17 : memref<!tpu.dma_semaphore, #tpu.memory_space<semaphore_mem>>)
      %dma_start3A_33 = arith.constant 0 : i32
      %dma_start3A_34 = arith.constant 0 : i32
      %dma_start3A_35 = tpu.memref_slice %arg2[%dma_start3A_33, %dma_start3A_34] : memref<10000x64xi32, #tpu.memory_space<hbm>> -> memref<10000x64xi32, #tpu.memory_space<hbm>>
      tpu.enqueue_indirect_dma source(%dma_start3A_35 : memref<10000x64xi32, #tpu.memory_space<hbm>>) target(%arg14 : memref<80x64xi32, #tpu.memory_space<vmem>>) offsets(%arg10 : memref<80xi32, #tpu.memory_space<vmem>>) semaphore(%arg18 : memref<!tpu.dma_semaphore, #tpu.memory_space<semaphore_mem>>)
      %mul3A_36 = arith.constant 80 : i32
      %mul3A_37 = arith.muli %mul3A_24, %mul3A_36 : i32
      %add3A_38 = arith.addi %mul3A_2, %mul3A_37 : i32
      %dma_wait3A_39 = arith.constant 0 : i32
      %dma_wait3A_40 = arith.constant 0 : i32
      %dma_wait3A_41 = tpu.memref_slice %arg2[%dma_wait3A_39, %dma_wait3A_40] : memref<10000x64xi32, #tpu.memory_space<hbm>> -> memref<10000x64xi32, #tpu.memory_space<hbm>>
      tpu.wait_indirect_dma semaphore(%arg15 : memref<!tpu.dma_semaphore, #tpu.memory_space<semaphore_mem>>) src(%dma_wait3A_41 : memref<10000x64xi32, #tpu.memory_space<hbm>>) dst(%arg11 : memref<80x64xi32, #tpu.memory_space<vmem>>)
      %dma_wait3A_42 = arith.constant 0 : i32
      %dma_wait3A_43 = arith.constant 0 : i32
      %dma_wait3A_44 = tpu.memref_slice %arg2[%dma_wait3A_42, %dma_wait3A_43] : memref<10000x64xi32, #tpu.memory_space<hbm>> -> memref<10000x64xi32, #tpu.memory_space<hbm>>
      tpu.wait_indirect_dma semaphore(%arg16 : memref<!tpu.dma_semaphore, #tpu.memory_space<semaphore_mem>>) src(%dma_wait3A_44 : memref<10000x64xi32, #tpu.memory_space<hbm>>) dst(%arg12 : memref<80x64xi32, #tpu.memory_space<vmem>>)
      "tpu.region"() ({
        %run_scoped3A = tpu.sem_alloc : memref<!tpu.dma_semaphore, #tpu.memory_space<semaphore_mem>>
        %dma_start3A_67 = arith.constant 0 : i32
        %dma_start3A_68 = tpu.memref_slice %arg5[%add3A_38, %dma_start3A_67] : memref<320000x64xi32, #tpu.memory_space<hbm>> -> memref<80x64xi32, #tpu.memory_space<hbm>>
        %dma_start3A_69 = arith.constant 0 : i32
        %dma_start3A_70 = tpu.memref_slice %arg5[%add3A_38, %dma_start3A_69] : memref<320000x64xi32, #tpu.memory_space<hbm>> -> memref<80x64xi32, #tpu.memory_space<hbm>>
        tpu.enqueue_dma source(%arg11 : memref<80x64xi32, #tpu.memory_space<vmem>>) target(%dma_start3A_70 : memref<80x64xi32, #tpu.memory_space<hbm>>) target_semaphore(%run_scoped3A : memref<!tpu.dma_semaphore, #tpu.memory_space<semaphore_mem>>)
        %dma_wait3A_71 = arith.constant 0 : i32
        %dma_wait3A_72 = tpu.memref_slice %arg5[%add3A_38, %dma_wait3A_71] : memref<320000x64xi32, #tpu.memory_space<hbm>> -> memref<80x64xi32, #tpu.memory_space<hbm>>
        %dma_wait3A_73 = arith.constant 0 : i32
        %dma_wait3A_74 = tpu.memref_slice %arg5[%add3A_38, %dma_wait3A_73] : memref<320000x64xi32, #tpu.memory_space<hbm>> -> memref<80x64xi32, #tpu.memory_space<hbm>>
        tpu.wait_dma2 semaphore(%run_scoped3A : memref<!tpu.dma_semaphore, #tpu.memory_space<semaphore_mem>>) src(%arg11 : memref<80x64xi32, #tpu.memory_space<vmem>>) dst(%dma_wait3A_74 : memref<80x64xi32, #tpu.memory_space<hbm>>)
        tpu.yield
      }) : () -> ()
      "tpu.region"() ({
        %run_scoped3A = tpu.sem_alloc : memref<!tpu.dma_semaphore, #tpu.memory_space<semaphore_mem>>
        %dma_start3A_67 = arith.constant 0 : i32
        %dma_start3A_68 = tpu.memref_slice %arg6[%add3A_38, %dma_start3A_67] : memref<320000x64xi32, #tpu.memory_space<hbm>> -> memref<80x64xi32, #tpu.memory_space<hbm>>
        %dma_start3A_69 = arith.constant 0 : i32
        %dma_start3A_70 = tpu.memref_slice %arg6[%add3A_38, %dma_start3A_69] : memref<320000x64xi32, #tpu.memory_space<hbm>> -> memref<80x64xi32, #tpu.memory_space<hbm>>
        tpu.enqueue_dma source(%arg12 : memref<80x64xi32, #tpu.memory_space<vmem>>) target(%dma_start3A_70 : memref<80x64xi32, #tpu.memory_space<hbm>>) target_semaphore(%run_scoped3A : memref<!tpu.dma_semaphore, #tpu.memory_space<semaphore_mem>>)
        %dma_wait3A_71 = arith.constant 0 : i32
        %dma_wait3A_72 = tpu.memref_slice %arg6[%add3A_38, %dma_wait3A_71] : memref<320000x64xi32, #tpu.memory_space<hbm>> -> memref<80x64xi32, #tpu.memory_space<hbm>>
        %dma_wait3A_73 = arith.constant 0 : i32
        %dma_wait3A_74 = tpu.memref_slice %arg6[%add3A_38, %dma_wait3A_73] : memref<320000x64xi32, #tpu.memory_space<hbm>> -> memref<80x64xi32, #tpu.memory_space<hbm>>
        tpu.wait_dma2 semaphore(%run_scoped3A : memref<!tpu.dma_semaphore, #tpu.memory_space<semaphore_mem>>) src(%arg12 : memref<80x64xi32, #tpu.memory_space<vmem>>) dst(%dma_wait3A_74 : memref<80x64xi32, #tpu.memory_space<hbm>>)
        tpu.yield
      }) : () -> ()
      %add3A_45 = arith.constant 2 : i32
      %add3A_46 = arith.addi %mul3A_24, %add3A_45 : i32
      %mul3A_47 = arith.constant 80 : i32
      %mul3A_48 = arith.muli %add3A_46, %mul3A_47 : i32
      %add3A_49 = arith.addi %mul3A_2, %mul3A_48 : i32
      "tpu.region"() ({
        %run_scoped3A = tpu.sem_alloc : memref<!tpu.dma_semaphore, #tpu.memory_space<semaphore_mem>>
        %dma_start3A_67 = tpu.memref_slice %arg3[%add3A_49] : memref<320000xi32, #tpu.memory_space<hbm>> -> memref<80xi32, #tpu.memory_space<hbm>>
        %dma_start3A_68 = tpu.memref_slice %arg3[%add3A_49] : memref<320000xi32, #tpu.memory_space<hbm>> -> memref<80xi32, #tpu.memory_space<hbm>>
        tpu.enqueue_dma source(%dma_start3A_68 : memref<80xi32, #tpu.memory_space<hbm>>) target(%arg7 : memref<80xi32, #tpu.memory_space<vmem>>) target_semaphore(%run_scoped3A : memref<!tpu.dma_semaphore, #tpu.memory_space<semaphore_mem>>)
        %dma_wait3A_69 = tpu.memref_slice %arg3[%add3A_49] : memref<320000xi32, #tpu.memory_space<hbm>> -> memref<80xi32, #tpu.memory_space<hbm>>
        %dma_wait3A_70 = tpu.memref_slice %arg3[%add3A_49] : memref<320000xi32, #tpu.memory_space<hbm>> -> memref<80xi32, #tpu.memory_space<hbm>>
        tpu.wait_dma2 semaphore(%run_scoped3A : memref<!tpu.dma_semaphore, #tpu.memory_space<semaphore_mem>>) src(%dma_wait3A_70 : memref<80xi32, #tpu.memory_space<hbm>>) dst(%arg7 : memref<80xi32, #tpu.memory_space<vmem>>)
        tpu.yield
      }) : () -> ()
      "tpu.region"() ({
        %run_scoped3A = tpu.sem_alloc : memref<!tpu.dma_semaphore, #tpu.memory_space<semaphore_mem>>
        %dma_start3A_67 = tpu.memref_slice %arg4[%add3A_49] : memref<320000xi32, #tpu.memory_space<hbm>> -> memref<80xi32, #tpu.memory_space<hbm>>
        %dma_start3A_68 = tpu.memref_slice %arg4[%add3A_49] : memref<320000xi32, #tpu.memory_space<hbm>> -> memref<80xi32, #tpu.memory_space<hbm>>
        tpu.enqueue_dma source(%dma_start3A_68 : memref<80xi32, #tpu.memory_space<hbm>>) target(%arg8 : memref<80xi32, #tpu.memory_space<vmem>>) target_semaphore(%run_scoped3A : memref<!tpu.dma_semaphore, #tpu.memory_space<semaphore_mem>>)
        %dma_wait3A_69 = tpu.memref_slice %arg4[%add3A_49] : memref<320000xi32, #tpu.memory_space<hbm>> -> memref<80xi32, #tpu.memory_space<hbm>>
        %dma_wait3A_70 = tpu.memref_slice %arg4[%add3A_49] : memref<320000xi32, #tpu.memory_space<hbm>> -> memref<80xi32, #tpu.memory_space<hbm>>
        tpu.wait_dma2 semaphore(%run_scoped3A : memref<!tpu.dma_semaphore, #tpu.memory_space<semaphore_mem>>) src(%dma_wait3A_70 : memref<80xi32, #tpu.memory_space<hbm>>) dst(%arg8 : memref<80xi32, #tpu.memory_space<vmem>>)
        tpu.yield
      }) : () -> ()
      %dma_start3A_50 = arith.constant 0 : i32
      %dma_start3A_51 = arith.constant 0 : i32
      %dma_start3A_52 = tpu.memref_slice %arg2[%dma_start3A_50, %dma_start3A_51] : memref<10000x64xi32, #tpu.memory_space<hbm>> -> memref<10000x64xi32, #tpu.memory_space<hbm>>
      tpu.enqueue_indirect_dma source(%dma_start3A_52 : memref<10000x64xi32, #tpu.memory_space<hbm>>) target(%arg11 : memref<80x64xi32, #tpu.memory_space<vmem>>) offsets(%arg7 : memref<80xi32, #tpu.memory_space<vmem>>) semaphore(%arg15 : memref<!tpu.dma_semaphore, #tpu.memory_space<semaphore_mem>>)
      %dma_start3A_53 = arith.constant 0 : i32
      %dma_start3A_54 = arith.constant 0 : i32
      %dma_start3A_55 = tpu.memref_slice %arg2[%dma_start3A_53, %dma_start3A_54] : memref<10000x64xi32, #tpu.memory_space<hbm>> -> memref<10000x64xi32, #tpu.memory_space<hbm>>
      tpu.enqueue_indirect_dma source(%dma_start3A_55 : memref<10000x64xi32, #tpu.memory_space<hbm>>) target(%arg12 : memref<80x64xi32, #tpu.memory_space<vmem>>) offsets(%arg8 : memref<80xi32, #tpu.memory_space<vmem>>) semaphore(%arg16 : memref<!tpu.dma_semaphore, #tpu.memory_space<semaphore_mem>>)
      %add3A_56 = arith.constant 1 : i32
      %add3A_57 = arith.addi %mul3A_24, %add3A_56 : i32
      %mul3A_58 = arith.constant 80 : i32
      %mul3A_59 = arith.muli %add3A_57, %mul3A_58 : i32
      %add3A_60 = arith.addi %mul3A_2, %mul3A_59 : i32
      %dma_wait3A_61 = arith.constant 0 : i32
      %dma_wait3A_62 = arith.constant 0 : i32
      %dma_wait3A_63 = tpu.memref_slice %arg2[%dma_wait3A_61, %dma_wait3A_62] : memref<10000x64xi32, #tpu.memory_space<hbm>> -> memref<10000x64xi32, #tpu.memory_space<hbm>>
      tpu.wait_indirect_dma semaphore(%arg17 : memref<!tpu.dma_semaphore, #tpu.memory_space<semaphore_mem>>) src(%dma_wait3A_63 : memref<10000x64xi32, #tpu.memory_space<hbm>>) dst(%arg13 : memref<80x64xi32, #tpu.memory_space<vmem>>)
      %dma_wait3A_64 = arith.constant 0 : i32
      %dma_wait3A_65 = arith.constant 0 : i32
      %dma_wait3A_66 = tpu.memref_slice %arg2[%dma_wait3A_64, %dma_wait3A_65] : memref<10000x64xi32, #tpu.memory_space<hbm>> -> memref<10000x64xi32, #tpu.memory_space<hbm>>
      tpu.wait_indirect_dma semaphore(%arg18 : memref<!tpu.dma_semaphore, #tpu.memory_space<semaphore_mem>>) src(%dma_wait3A_66 : memref<10000x64xi32, #tpu.memory_space<hbm>>) dst(%arg14 : memref<80x64xi32, #tpu.memory_space<vmem>>)
      "tpu.region"() ({
        %run_scoped3A = tpu.sem_alloc : memref<!tpu.dma_semaphore, #tpu.memory_space<semaphore_mem>>
        %dma_start3A_67 = arith.constant 0 : i32
        %dma_start3A_68 = tpu.memref_slice %arg5[%add3A_60, %dma_start3A_67] : memref<320000x64xi32, #tpu.memory_space<hbm>> -> memref<80x64xi32, #tpu.memory_space<hbm>>
        %dma_start3A_69 = arith.constant 0 : i32
        %dma_start3A_70 = tpu.memref_slice %arg5[%add3A_60, %dma_start3A_69] : memref<320000x64xi32, #tpu.memory_space<hbm>> -> memref<80x64xi32, #tpu.memory_space<hbm>>
        tpu.enqueue_dma source(%arg13 : memref<80x64xi32, #tpu.memory_space<vmem>>) target(%dma_start3A_70 : memref<80x64xi32, #tpu.memory_space<hbm>>) target_semaphore(%run_scoped3A : memref<!tpu.dma_semaphore, #tpu.memory_space<semaphore_mem>>)
        %dma_wait3A_71 = arith.constant 0 : i32
        %dma_wait3A_72 = tpu.memref_slice %arg5[%add3A_60, %dma_wait3A_71] : memref<320000x64xi32, #tpu.memory_space<hbm>> -> memref<80x64xi32, #tpu.memory_space<hbm>>
        %dma_wait3A_73 = arith.constant 0 : i32
        %dma_wait3A_74 = tpu.memref_slice %arg5[%add3A_60, %dma_wait3A_73] : memref<320000x64xi32, #tpu.memory_space<hbm>> -> memref<80x64xi32, #tpu.memory_space<hbm>>
        tpu.wait_dma2 semaphore(%run_scoped3A : memref<!tpu.dma_semaphore, #tpu.memory_space<semaphore_mem>>) src(%arg13 : memref<80x64xi32, #tpu.memory_space<vmem>>) dst(%dma_wait3A_74 : memref<80x64xi32, #tpu.memory_space<hbm>>)
        tpu.yield
      }) : () -> ()
      "tpu.region"() ({
        %run_scoped3A = tpu.sem_alloc : memref<!tpu.dma_semaphore, #tpu.memory_space<semaphore_mem>>
        %dma_start3A_67 = arith.constant 0 : i32
        %dma_start3A_68 = tpu.memref_slice %arg6[%add3A_60, %dma_start3A_67] : memref<320000x64xi32, #tpu.memory_space<hbm>> -> memref<80x64xi32, #tpu.memory_space<hbm>>
        %dma_start3A_69 = arith.constant 0 : i32
        %dma_start3A_70 = tpu.memref_slice %arg6[%add3A_60, %dma_start3A_69] : memref<320000x64xi32, #tpu.memory_space<hbm>> -> memref<80x64xi32, #tpu.memory_space<hbm>>
        tpu.enqueue_dma source(%arg14 : memref<80x64xi32, #tpu.memory_space<vmem>>) target(%dma_start3A_70 : memref<80x64xi32, #tpu.memory_space<hbm>>) target_semaphore(%run_scoped3A : memref<!tpu.dma_semaphore, #tpu.memory_space<semaphore_mem>>)
        %dma_wait3A_71 = arith.constant 0 : i32
        %dma_wait3A_72 = tpu.memref_slice %arg6[%add3A_60, %dma_wait3A_71] : memref<320000x64xi32, #tpu.memory_space<hbm>> -> memref<80x64xi32, #tpu.memory_space<hbm>>
        %dma_wait3A_73 = arith.constant 0 : i32
        %dma_wait3A_74 = tpu.memref_slice %arg6[%add3A_60, %dma_wait3A_73] : memref<320000x64xi32, #tpu.memory_space<hbm>> -> memref<80x64xi32, #tpu.memory_space<hbm>>
        tpu.wait_dma2 semaphore(%run_scoped3A : memref<!tpu.dma_semaphore, #tpu.memory_space<semaphore_mem>>) src(%arg14 : memref<80x64xi32, #tpu.memory_space<vmem>>) dst(%dma_wait3A_74 : memref<80x64xi32, #tpu.memory_space<hbm>>)
        tpu.yield
      }) : () -> ()
    }
    %scan3A_14 = arith.constant 62 : i32
    %add3A_15 = arith.constant 9920 : i32
    %add3A_16 = arith.addi %mul3A_2, %add3A_15 : i32
    %dma_wait3A = arith.constant 0 : i32
    %dma_wait3A_17 = arith.constant 0 : i32
    %dma_wait3A_18 = tpu.memref_slice %arg2[%dma_wait3A, %dma_wait3A_17] : memref<10000x64xi32, #tpu.memory_space<hbm>> -> memref<10000x64xi32, #tpu.memory_space<hbm>>
    tpu.wait_indirect_dma semaphore(%arg15 : memref<!tpu.dma_semaphore, #tpu.memory_space<semaphore_mem>>) src(%dma_wait3A_18 : memref<10000x64xi32, #tpu.memory_space<hbm>>) dst(%arg11 : memref<80x64xi32, #tpu.memory_space<vmem>>)
    %dma_wait3A_19 = arith.constant 0 : i32
    %dma_wait3A_20 = arith.constant 0 : i32
    %dma_wait3A_21 = tpu.memref_slice %arg2[%dma_wait3A_19, %dma_wait3A_20] : memref<10000x64xi32, #tpu.memory_space<hbm>> -> memref<10000x64xi32, #tpu.memory_space<hbm>>
    tpu.wait_indirect_dma semaphore(%arg16 : memref<!tpu.dma_semaphore, #tpu.memory_space<semaphore_mem>>) src(%dma_wait3A_21 : memref<10000x64xi32, #tpu.memory_space<hbm>>) dst(%arg12 : memref<80x64xi32, #tpu.memory_space<vmem>>)
    "tpu.region"() ({
      %run_scoped3A = tpu.sem_alloc : memref<!tpu.dma_semaphore, #tpu.memory_space<semaphore_mem>>
      %dma_start3A_22 = arith.constant 0 : i32
      %dma_start3A_23 = tpu.memref_slice %arg5[%add3A_16, %dma_start3A_22] : memref<320000x64xi32, #tpu.memory_space<hbm>> -> memref<80x64xi32, #tpu.memory_space<hbm>>
      %dma_start3A_24 = arith.constant 0 : i32
      %dma_start3A_25 = tpu.memref_slice %arg5[%add3A_16, %dma_start3A_24] : memref<320000x64xi32, #tpu.memory_space<hbm>> -> memref<80x64xi32, #tpu.memory_space<hbm>>
      tpu.enqueue_dma source(%arg11 : memref<80x64xi32, #tpu.memory_space<vmem>>) target(%dma_start3A_25 : memref<80x64xi32, #tpu.memory_space<hbm>>) target_semaphore(%run_scoped3A : memref<!tpu.dma_semaphore, #tpu.memory_space<semaphore_mem>>)
      %dma_wait3A_26 = arith.constant 0 : i32
      %dma_wait3A_27 = tpu.memref_slice %arg5[%add3A_16, %dma_wait3A_26] : memref<320000x64xi32, #tpu.memory_space<hbm>> -> memref<80x64xi32, #tpu.memory_space<hbm>>
      %dma_wait3A_28 = arith.constant 0 : i32
      %dma_wait3A_29 = tpu.memref_slice %arg5[%add3A_16, %dma_wait3A_28] : memref<320000x64xi32, #tpu.memory_space<hbm>> -> memref<80x64xi32, #tpu.memory_space<hbm>>
      tpu.wait_dma2 semaphore(%run_scoped3A : memref<!tpu.dma_semaphore, #tpu.memory_space<semaphore_mem>>) src(%arg11 : memref<80x64xi32, #tpu.memory_space<vmem>>) dst(%dma_wait3A_29 : memref<80x64xi32, #tpu.memory_space<hbm>>)
      tpu.yield
    }) : () -> ()
    "tpu.region"() ({
      %run_scoped3A = tpu.sem_alloc : memref<!tpu.dma_semaphore, #tpu.memory_space<semaphore_mem>>
      %dma_start3A_22 = arith.constant 0 : i32
      %dma_start3A_23 = tpu.memref_slice %arg6[%add3A_16, %dma_start3A_22] : memref<320000x64xi32, #tpu.memory_space<hbm>> -> memref<80x64xi32, #tpu.memory_space<hbm>>
      %dma_start3A_24 = arith.constant 0 : i32
      %dma_start3A_25 = tpu.memref_slice %arg6[%add3A_16, %dma_start3A_24] : memref<320000x64xi32, #tpu.memory_space<hbm>> -> memref<80x64xi32, #tpu.memory_space<hbm>>
      tpu.enqueue_dma source(%arg12 : memref<80x64xi32, #tpu.memory_space<vmem>>) target(%dma_start3A_25 : memref<80x64xi32, #tpu.memory_space<hbm>>) target_semaphore(%run_scoped3A : memref<!tpu.dma_semaphore, #tpu.memory_space<semaphore_mem>>)
      %dma_wait3A_26 = arith.constant 0 : i32
      %dma_wait3A_27 = tpu.memref_slice %arg6[%add3A_16, %dma_wait3A_26] : memref<320000x64xi32, #tpu.memory_space<hbm>> -> memref<80x64xi32, #tpu.memory_space<hbm>>
      %dma_wait3A_28 = arith.constant 0 : i32
      %dma_wait3A_29 = tpu.memref_slice %arg6[%add3A_16, %dma_wait3A_28] : memref<320000x64xi32, #tpu.memory_space<hbm>> -> memref<80x64xi32, #tpu.memory_space<hbm>>
      tpu.wait_dma2 semaphore(%run_scoped3A : memref<!tpu.dma_semaphore, #tpu.memory_space<semaphore_mem>>) src(%arg12 : memref<80x64xi32, #tpu.memory_space<vmem>>) dst(%dma_wait3A_29 : memref<80x64xi32, #tpu.memory_space<hbm>>)
      tpu.yield
    }) : () -> ()
    return
  }
}

#map = affine_map<(d0, d1) -> (0, 0)>
#map1 = affine_map<(d0, d1) -> (0)>
#map2 = affine_map<(d0, d1) -> (0, 0, 0)>
module attributes {stable_mosaic.version = 14 : i64} {
  func.func @_sc_scatter(%arg0: i32, %arg1: i32, %arg2: memref<320000x128xf32, #tpu.memory_space<hbm>>, %arg3: memref<320000xi32, #tpu.memory_space<hbm>>, %arg4: memref<10240x128xf32, #tpu.memory_space<hbm>>, %arg5: memref<2x10240x128xf32, #tpu.memory_space<hbm>>, %arg6: memref<80xi32, #tpu.memory_space<vmem>>, %arg7: memref<80xi32, #tpu.memory_space<vmem>>, %arg8: memref<80x128xf32, #tpu.memory_space<vmem>>, %arg9: memref<80x128xf32, #tpu.memory_space<vmem>>, %arg10: memref<10240x128xf32, #tpu.memory_space<vmem_shared>>, %arg11: memref<!tpu.dma_semaphore, #tpu.memory_space<semaphore_mem>>, %arg12: memref<!tpu.dma_semaphore, #tpu.memory_space<semaphore_mem>>, %arg13: memref<!tpu.dma_semaphore, #tpu.memory_space<semaphore_mem>>, %arg14: memref<!tpu.dma_semaphore, #tpu.memory_space<semaphore_mem>>) attributes {dimension_semantics = [#tpu.dimension_semantics<core_parallel>, #tpu.dimension_semantics<subcore_parallel>], iteration_bounds = array<i64: 2, 16>, scalar_prefetch = 0 : i64, scratch_operands = 9 : i64, tpu.core_type = #tpu.core_type<sc_vector_subcore>, window_params = [{transform_indices = #map}, {transform_indices = #map1}, {transform_indices = #map}, {transform_indices = #map2}]} {
    %mul3A = arith.constant 640 : i32
    %mul3A_0 = arith.muli %arg1, %mul3A : i32
    %mul3A_1 = arith.constant 640 : i32
    %mul3A_2 = arith.muli %arg1, %mul3A_1 : i32
    "tpu.region"() ({
      %run_scoped3A = tpu.sem_alloc : memref<!tpu.dma_semaphore, #tpu.memory_space<semaphore_mem>>
      %dma_start3A_31 = arith.constant 0 : i32
      %dma_start3A_32 = tpu.memref_slice %arg10[%mul3A_2, %dma_start3A_31] : memref<10240x128xf32, #tpu.memory_space<vmem_shared>> -> memref<640x128xf32, #tpu.memory_space<vmem_shared>>
      %dma_start3A_33 = arith.constant 0 : i32
      %dma_start3A_34 = tpu.memref_slice %arg4[%mul3A_0, %dma_start3A_33] : memref<10240x128xf32, #tpu.memory_space<hbm>> -> memref<640x128xf32, #tpu.memory_space<hbm>>
      tpu.enqueue_dma source(%dma_start3A_34 : memref<640x128xf32, #tpu.memory_space<hbm>>) target(%dma_start3A_32 : memref<640x128xf32, #tpu.memory_space<vmem_shared>>) target_semaphore(%run_scoped3A : memref<!tpu.dma_semaphore, #tpu.memory_space<semaphore_mem>>)
      %dma_wait3A_35 = arith.constant 0 : i32
      %dma_wait3A_36 = tpu.memref_slice %arg10[%mul3A_2, %dma_wait3A_35] : memref<10240x128xf32, #tpu.memory_space<vmem_shared>> -> memref<640x128xf32, #tpu.memory_space<vmem_shared>>
      %dma_wait3A_37 = arith.constant 0 : i32
      %dma_wait3A_38 = tpu.memref_slice %arg4[%mul3A_0, %dma_wait3A_37] : memref<10240x128xf32, #tpu.memory_space<hbm>> -> memref<640x128xf32, #tpu.memory_space<hbm>>
      tpu.wait_dma2 semaphore(%run_scoped3A : memref<!tpu.dma_semaphore, #tpu.memory_space<semaphore_mem>>) src(%dma_wait3A_38 : memref<640x128xf32, #tpu.memory_space<hbm>>) dst(%dma_wait3A_36 : memref<640x128xf32, #tpu.memory_space<vmem_shared>>)
      tpu.yield
    }) : () -> ()
    %barrier3A = arith.constant 0 : index
    tpu.barrier barrier_id(%barrier3A)
    %mul3A_3 = arith.constant 160000 : i32
    %mul3A_4 = arith.muli %arg0, %mul3A_3 : i32
    %mul3A_5 = arith.constant 10000 : i32
    %mul3A_6 = arith.muli %arg1, %mul3A_5 : i32
    %add3A = arith.addi %mul3A_4, %mul3A_6 : i32
    %add3A_7 = arith.constant 0 : i32
    %add3A_8 = arith.addi %add3A, %add3A_7 : i32
    %dma_start3A = tpu.memref_slice %arg3[%add3A_8] : memref<320000xi32, #tpu.memory_space<hbm>> -> memref<80xi32, #tpu.memory_space<hbm>>
    %dma_start3A_9 = tpu.memref_slice %arg3[%add3A_8] : memref<320000xi32, #tpu.memory_space<hbm>> -> memref<80xi32, #tpu.memory_space<hbm>>
    tpu.enqueue_dma source(%dma_start3A_9 : memref<80xi32, #tpu.memory_space<hbm>>) target(%arg6 : memref<80xi32, #tpu.memory_space<vmem>>) target_semaphore(%arg11 : memref<!tpu.dma_semaphore, #tpu.memory_space<semaphore_mem>>)
    %dma_start3A_10 = arith.constant 0 : i32
    %dma_start3A_11 = tpu.memref_slice %arg2[%add3A_8, %dma_start3A_10] : memref<320000x128xf32, #tpu.memory_space<hbm>> -> memref<80x128xf32, #tpu.memory_space<hbm>>
    %dma_start3A_12 = arith.constant 0 : i32
    %dma_start3A_13 = tpu.memref_slice %arg2[%add3A_8, %dma_start3A_12] : memref<320000x128xf32, #tpu.memory_space<hbm>> -> memref<80x128xf32, #tpu.memory_space<hbm>>
    tpu.enqueue_dma source(%dma_start3A_13 : memref<80x128xf32, #tpu.memory_space<hbm>>) target(%arg8 : memref<80x128xf32, #tpu.memory_space<vmem>>) target_semaphore(%arg12 : memref<!tpu.dma_semaphore, #tpu.memory_space<semaphore_mem>>)
    %scan3A = arith.constant 0 : i32
    %scan3A_14 = arith.constant 0 : i32
    %scan3A_15 = arith.constant 62 : i32
    %scan3A_16 = arith.addi %scan3A_14, %scan3A_15 : i32
    %scan3A_17 = arith.constant 1 : i32
    scf.for %scan3A_31 = %scan3A_14 to %scan3A_16 step %scan3A_17  : i32 {
      %mul3A_32 = arith.constant 2 : i32
      %mul3A_33 = arith.muli %mul3A_32, %scan3A_31 : i32
      %add3A_34 = arith.constant 1 : i32
      %add3A_35 = arith.addi %mul3A_33, %add3A_34 : i32
      %mul3A_36 = arith.constant 80 : i32
      %mul3A_37 = arith.muli %add3A_35, %mul3A_36 : i32
      %add3A_38 = arith.addi %add3A, %mul3A_37 : i32
      %dma_start3A_39 = tpu.memref_slice %arg3[%add3A_38] : memref<320000xi32, #tpu.memory_space<hbm>> -> memref<80xi32, #tpu.memory_space<hbm>>
      %dma_start3A_40 = tpu.memref_slice %arg3[%add3A_38] : memref<320000xi32, #tpu.memory_space<hbm>> -> memref<80xi32, #tpu.memory_space<hbm>>
      tpu.enqueue_dma source(%dma_start3A_40 : memref<80xi32, #tpu.memory_space<hbm>>) target(%arg7 : memref<80xi32, #tpu.memory_space<vmem>>) target_semaphore(%arg13 : memref<!tpu.dma_semaphore, #tpu.memory_space<semaphore_mem>>)
      %dma_start3A_41 = arith.constant 0 : i32
      %dma_start3A_42 = tpu.memref_slice %arg2[%add3A_38, %dma_start3A_41] : memref<320000x128xf32, #tpu.memory_space<hbm>> -> memref<80x128xf32, #tpu.memory_space<hbm>>
      %dma_start3A_43 = arith.constant 0 : i32
      %dma_start3A_44 = tpu.memref_slice %arg2[%add3A_38, %dma_start3A_43] : memref<320000x128xf32, #tpu.memory_space<hbm>> -> memref<80x128xf32, #tpu.memory_space<hbm>>
      tpu.enqueue_dma source(%dma_start3A_44 : memref<80x128xf32, #tpu.memory_space<hbm>>) target(%arg9 : memref<80x128xf32, #tpu.memory_space<vmem>>) target_semaphore(%arg14 : memref<!tpu.dma_semaphore, #tpu.memory_space<semaphore_mem>>)
      %mul3A_45 = arith.constant 80 : i32
      %mul3A_46 = arith.muli %mul3A_33, %mul3A_45 : i32
      %add3A_47 = arith.addi %add3A, %mul3A_46 : i32
      %dma_wait3A_48 = tpu.memref_slice %arg3[%add3A_47] : memref<320000xi32, #tpu.memory_space<hbm>> -> memref<80xi32, #tpu.memory_space<hbm>>
      %dma_wait3A_49 = tpu.memref_slice %arg3[%add3A_47] : memref<320000xi32, #tpu.memory_space<hbm>> -> memref<80xi32, #tpu.memory_space<hbm>>
      tpu.wait_dma2 semaphore(%arg11 : memref<!tpu.dma_semaphore, #tpu.memory_space<semaphore_mem>>) src(%dma_wait3A_49 : memref<80xi32, #tpu.memory_space<hbm>>) dst(%arg6 : memref<80xi32, #tpu.memory_space<vmem>>)
      %dma_wait3A_50 = arith.constant 0 : i32
      %dma_wait3A_51 = tpu.memref_slice %arg2[%add3A_47, %dma_wait3A_50] : memref<320000x128xf32, #tpu.memory_space<hbm>> -> memref<80x128xf32, #tpu.memory_space<hbm>>
      %dma_wait3A_52 = arith.constant 0 : i32
      %dma_wait3A_53 = tpu.memref_slice %arg2[%add3A_47, %dma_wait3A_52] : memref<320000x128xf32, #tpu.memory_space<hbm>> -> memref<80x128xf32, #tpu.memory_space<hbm>>
      tpu.wait_dma2 semaphore(%arg12 : memref<!tpu.dma_semaphore, #tpu.memory_space<semaphore_mem>>) src(%dma_wait3A_53 : memref<80x128xf32, #tpu.memory_space<hbm>>) dst(%arg8 : memref<80x128xf32, #tpu.memory_space<vmem>>)
      "tpu.region"() ({
        %run_scoped3A = tpu.sem_alloc : memref<!tpu.dma_semaphore, #tpu.memory_space<semaphore_mem>>
        %dma_start3A_76 = arith.constant 0 : i32
        %dma_start3A_77 = arith.constant 0 : i32
        %dma_start3A_78 = tpu.memref_slice %arg10[%dma_start3A_76, %dma_start3A_77] : memref<10240x128xf32, #tpu.memory_space<vmem_shared>> -> memref<10240x128xf32, #tpu.memory_space<vmem_shared>>
        tpu.enqueue_indirect_dma source(%arg8 : memref<80x128xf32, #tpu.memory_space<vmem>>) target(%dma_start3A_78 : memref<10240x128xf32, #tpu.memory_space<vmem_shared>>) offsets(%arg6 : memref<80xi32, #tpu.memory_space<vmem>>) semaphore(%run_scoped3A : memref<!tpu.dma_semaphore, #tpu.memory_space<semaphore_mem>>) {add = true}
        %dma_wait3A_79 = arith.constant 0 : i32
        %dma_wait3A_80 = arith.constant 0 : i32
        %dma_wait3A_81 = tpu.memref_slice %arg10[%dma_wait3A_79, %dma_wait3A_80] : memref<10240x128xf32, #tpu.memory_space<vmem_shared>> -> memref<10240x128xf32, #tpu.memory_space<vmem_shared>>
        tpu.wait_indirect_dma semaphore(%run_scoped3A : memref<!tpu.dma_semaphore, #tpu.memory_space<semaphore_mem>>) src(%arg8 : memref<80x128xf32, #tpu.memory_space<vmem>>) dst(%dma_wait3A_81 : memref<10240x128xf32, #tpu.memory_space<vmem_shared>>)
        tpu.yield
      }) : () -> ()
      %add3A_54 = arith.constant 2 : i32
      %add3A_55 = arith.addi %mul3A_33, %add3A_54 : i32
      %mul3A_56 = arith.constant 80 : i32
      %mul3A_57 = arith.muli %add3A_55, %mul3A_56 : i32
      %add3A_58 = arith.addi %add3A, %mul3A_57 : i32
      %dma_start3A_59 = tpu.memref_slice %arg3[%add3A_58] : memref<320000xi32, #tpu.memory_space<hbm>> -> memref<80xi32, #tpu.memory_space<hbm>>
      %dma_start3A_60 = tpu.memref_slice %arg3[%add3A_58] : memref<320000xi32, #tpu.memory_space<hbm>> -> memref<80xi32, #tpu.memory_space<hbm>>
      tpu.enqueue_dma source(%dma_start3A_60 : memref<80xi32, #tpu.memory_space<hbm>>) target(%arg6 : memref<80xi32, #tpu.memory_space<vmem>>) target_semaphore(%arg11 : memref<!tpu.dma_semaphore, #tpu.memory_space<semaphore_mem>>)
      %dma_start3A_61 = arith.constant 0 : i32
      %dma_start3A_62 = tpu.memref_slice %arg2[%add3A_58, %dma_start3A_61] : memref<320000x128xf32, #tpu.memory_space<hbm>> -> memref<80x128xf32, #tpu.memory_space<hbm>>
      %dma_start3A_63 = arith.constant 0 : i32
      %dma_start3A_64 = tpu.memref_slice %arg2[%add3A_58, %dma_start3A_63] : memref<320000x128xf32, #tpu.memory_space<hbm>> -> memref<80x128xf32, #tpu.memory_space<hbm>>
      tpu.enqueue_dma source(%dma_start3A_64 : memref<80x128xf32, #tpu.memory_space<hbm>>) target(%arg8 : memref<80x128xf32, #tpu.memory_space<vmem>>) target_semaphore(%arg12 : memref<!tpu.dma_semaphore, #tpu.memory_space<semaphore_mem>>)
      %add3A_65 = arith.constant 1 : i32
      %add3A_66 = arith.addi %mul3A_33, %add3A_65 : i32
      %mul3A_67 = arith.constant 80 : i32
      %mul3A_68 = arith.muli %add3A_66, %mul3A_67 : i32
      %add3A_69 = arith.addi %add3A, %mul3A_68 : i32
      %dma_wait3A_70 = tpu.memref_slice %arg3[%add3A_69] : memref<320000xi32, #tpu.memory_space<hbm>> -> memref<80xi32, #tpu.memory_space<hbm>>
      %dma_wait3A_71 = tpu.memref_slice %arg3[%add3A_69] : memref<320000xi32, #tpu.memory_space<hbm>> -> memref<80xi32, #tpu.memory_space<hbm>>
      tpu.wait_dma2 semaphore(%arg13 : memref<!tpu.dma_semaphore, #tpu.memory_space<semaphore_mem>>) src(%dma_wait3A_71 : memref<80xi32, #tpu.memory_space<hbm>>) dst(%arg7 : memref<80xi32, #tpu.memory_space<vmem>>)
      %dma_wait3A_72 = arith.constant 0 : i32
      %dma_wait3A_73 = tpu.memref_slice %arg2[%add3A_69, %dma_wait3A_72] : memref<320000x128xf32, #tpu.memory_space<hbm>> -> memref<80x128xf32, #tpu.memory_space<hbm>>
      %dma_wait3A_74 = arith.constant 0 : i32
      %dma_wait3A_75 = tpu.memref_slice %arg2[%add3A_69, %dma_wait3A_74] : memref<320000x128xf32, #tpu.memory_space<hbm>> -> memref<80x128xf32, #tpu.memory_space<hbm>>
      tpu.wait_dma2 semaphore(%arg14 : memref<!tpu.dma_semaphore, #tpu.memory_space<semaphore_mem>>) src(%dma_wait3A_75 : memref<80x128xf32, #tpu.memory_space<hbm>>) dst(%arg9 : memref<80x128xf32, #tpu.memory_space<vmem>>)
      "tpu.region"() ({
        %run_scoped3A = tpu.sem_alloc : memref<!tpu.dma_semaphore, #tpu.memory_space<semaphore_mem>>
        %dma_start3A_76 = arith.constant 0 : i32
        %dma_start3A_77 = arith.constant 0 : i32
        %dma_start3A_78 = tpu.memref_slice %arg10[%dma_start3A_76, %dma_start3A_77] : memref<10240x128xf32, #tpu.memory_space<vmem_shared>> -> memref<10240x128xf32, #tpu.memory_space<vmem_shared>>
        tpu.enqueue_indirect_dma source(%arg9 : memref<80x128xf32, #tpu.memory_space<vmem>>) target(%dma_start3A_78 : memref<10240x128xf32, #tpu.memory_space<vmem_shared>>) offsets(%arg7 : memref<80xi32, #tpu.memory_space<vmem>>) semaphore(%run_scoped3A : memref<!tpu.dma_semaphore, #tpu.memory_space<semaphore_mem>>) {add = true}
        %dma_wait3A_79 = arith.constant 0 : i32
        %dma_wait3A_80 = arith.constant 0 : i32
        %dma_wait3A_81 = tpu.memref_slice %arg10[%dma_wait3A_79, %dma_wait3A_80] : memref<10240x128xf32, #tpu.memory_space<vmem_shared>> -> memref<10240x128xf32, #tpu.memory_space<vmem_shared>>
        tpu.wait_indirect_dma semaphore(%run_scoped3A : memref<!tpu.dma_semaphore, #tpu.memory_space<semaphore_mem>>) src(%arg9 : memref<80x128xf32, #tpu.memory_space<vmem>>) dst(%dma_wait3A_81 : memref<10240x128xf32, #tpu.memory_space<vmem_shared>>)
        tpu.yield
      }) : () -> ()
    }
    %scan3A_18 = arith.constant 62 : i32
    %add3A_19 = arith.constant 9920 : i32
    %add3A_20 = arith.addi %add3A, %add3A_19 : i32
    %dma_wait3A = tpu.memref_slice %arg3[%add3A_20] : memref<320000xi32, #tpu.memory_space<hbm>> -> memref<80xi32, #tpu.memory_space<hbm>>
    %dma_wait3A_21 = tpu.memref_slice %arg3[%add3A_20] : memref<320000xi32, #tpu.memory_space<hbm>> -> memref<80xi32, #tpu.memory_space<hbm>>
    tpu.wait_dma2 semaphore(%arg11 : memref<!tpu.dma_semaphore, #tpu.memory_space<semaphore_mem>>) src(%dma_wait3A_21 : memref<80xi32, #tpu.memory_space<hbm>>) dst(%arg6 : memref<80xi32, #tpu.memory_space<vmem>>)
    %dma_wait3A_22 = arith.constant 0 : i32
    %dma_wait3A_23 = tpu.memref_slice %arg2[%add3A_20, %dma_wait3A_22] : memref<320000x128xf32, #tpu.memory_space<hbm>> -> memref<80x128xf32, #tpu.memory_space<hbm>>
    %dma_wait3A_24 = arith.constant 0 : i32
    %dma_wait3A_25 = tpu.memref_slice %arg2[%add3A_20, %dma_wait3A_24] : memref<320000x128xf32, #tpu.memory_space<hbm>> -> memref<80x128xf32, #tpu.memory_space<hbm>>
    tpu.wait_dma2 semaphore(%arg12 : memref<!tpu.dma_semaphore, #tpu.memory_space<semaphore_mem>>) src(%dma_wait3A_25 : memref<80x128xf32, #tpu.memory_space<hbm>>) dst(%arg8 : memref<80x128xf32, #tpu.memory_space<vmem>>)
    "tpu.region"() ({
      %run_scoped3A = tpu.sem_alloc : memref<!tpu.dma_semaphore, #tpu.memory_space<semaphore_mem>>
      %dma_start3A_31 = arith.constant 0 : i32
      %dma_start3A_32 = arith.constant 0 : i32
      %dma_start3A_33 = tpu.memref_slice %arg10[%dma_start3A_31, %dma_start3A_32] : memref<10240x128xf32, #tpu.memory_space<vmem_shared>> -> memref<10240x128xf32, #tpu.memory_space<vmem_shared>>
      tpu.enqueue_indirect_dma source(%arg8 : memref<80x128xf32, #tpu.memory_space<vmem>>) target(%dma_start3A_33 : memref<10240x128xf32, #tpu.memory_space<vmem_shared>>) offsets(%arg6 : memref<80xi32, #tpu.memory_space<vmem>>) semaphore(%run_scoped3A : memref<!tpu.dma_semaphore, #tpu.memory_space<semaphore_mem>>) {add = true}
      %dma_wait3A_34 = arith.constant 0 : i32
      %dma_wait3A_35 = arith.constant 0 : i32
      %dma_wait3A_36 = tpu.memref_slice %arg10[%dma_wait3A_34, %dma_wait3A_35] : memref<10240x128xf32, #tpu.memory_space<vmem_shared>> -> memref<10240x128xf32, #tpu.memory_space<vmem_shared>>
      tpu.wait_indirect_dma semaphore(%run_scoped3A : memref<!tpu.dma_semaphore, #tpu.memory_space<semaphore_mem>>) src(%arg8 : memref<80x128xf32, #tpu.memory_space<vmem>>) dst(%dma_wait3A_36 : memref<10240x128xf32, #tpu.memory_space<vmem_shared>>)
      tpu.yield
    }) : () -> ()
    %barrier3A_26 = arith.constant 0 : index
    tpu.barrier barrier_id(%barrier3A_26)
    %mul3A_27 = arith.constant 640 : i32
    %mul3A_28 = arith.muli %arg1, %mul3A_27 : i32
    %mul3A_29 = arith.constant 640 : i32
    %mul3A_30 = arith.muli %arg1, %mul3A_29 : i32
    "tpu.region"() ({
      %run_scoped3A = tpu.sem_alloc : memref<!tpu.dma_semaphore, #tpu.memory_space<semaphore_mem>>
      %dma_start3A_31 = arith.constant 0 : i32
      %dma_start3A_32 = arith.constant 0 : i32
      %dma_start3A_33 = tpu.memref_slice %arg5[%arg0, %dma_start3A_31, %dma_start3A_32] : memref<2x10240x128xf32, #tpu.memory_space<hbm>> -> memref<1x10240x128xf32, #tpu.memory_space<hbm>>
      %dma_start3A_34 = tpu.memref_squeeze %dma_start3A_33 : memref<1x10240x128xf32, #tpu.memory_space<hbm>> -> memref<10240x128xf32, #tpu.memory_space<hbm>>
      %dma_start3A_35 = arith.constant 0 : i32
      %dma_start3A_36 = tpu.memref_slice %dma_start3A_34[%mul3A_30, %dma_start3A_35] : memref<10240x128xf32, #tpu.memory_space<hbm>> -> memref<640x128xf32, #tpu.memory_space<hbm>>
      %dma_start3A_37 = arith.constant 0 : i32
      %dma_start3A_38 = tpu.memref_slice %arg10[%mul3A_28, %dma_start3A_37] : memref<10240x128xf32, #tpu.memory_space<vmem_shared>> -> memref<640x128xf32, #tpu.memory_space<vmem_shared>>
      tpu.enqueue_dma source(%dma_start3A_38 : memref<640x128xf32, #tpu.memory_space<vmem_shared>>) target(%dma_start3A_36 : memref<640x128xf32, #tpu.memory_space<hbm>>) target_semaphore(%run_scoped3A : memref<!tpu.dma_semaphore, #tpu.memory_space<semaphore_mem>>)
      %dma_wait3A_39 = arith.constant 0 : i32
      %dma_wait3A_40 = arith.constant 0 : i32
      %dma_wait3A_41 = tpu.memref_slice %arg5[%arg0, %dma_wait3A_39, %dma_wait3A_40] : memref<2x10240x128xf32, #tpu.memory_space<hbm>> -> memref<1x10240x128xf32, #tpu.memory_space<hbm>>
      %dma_wait3A_42 = tpu.memref_squeeze %dma_wait3A_41 : memref<1x10240x128xf32, #tpu.memory_space<hbm>> -> memref<10240x128xf32, #tpu.memory_space<hbm>>
      %dma_wait3A_43 = arith.constant 0 : i32
      %dma_wait3A_44 = tpu.memref_slice %dma_wait3A_42[%mul3A_30, %dma_wait3A_43] : memref<10240x128xf32, #tpu.memory_space<hbm>> -> memref<640x128xf32, #tpu.memory_space<hbm>>
      %dma_wait3A_45 = arith.constant 0 : i32
      %dma_wait3A_46 = tpu.memref_slice %arg10[%mul3A_28, %dma_wait3A_45] : memref<10240x128xf32, #tpu.memory_space<vmem_shared>> -> memref<640x128xf32, #tpu.memory_space<vmem_shared>>
      tpu.wait_dma2 semaphore(%run_scoped3A : memref<!tpu.dma_semaphore, #tpu.memory_space<semaphore_mem>>) src(%dma_wait3A_46 : memref<640x128xf32, #tpu.memory_space<vmem_shared>>) dst(%dma_wait3A_44 : memref<640x128xf32, #tpu.memory_space<hbm>>)
      tpu.yield
    }) : () -> ()
    return
  }
}

module attributes {stable_mosaic.version = 14 : i64} {
  func.func @_edge_body(%arg0: i32, %arg1: memref<2000x128xbf16, #tpu.memory_space<vmem>>, %arg2: memref<2000x128xbf16, #tpu.memory_space<vmem>>, %arg3: memref<2000x128xf32, #tpu.memory_space<vmem>>, %arg4: memref<128x128xbf16, #tpu.memory_space<vmem>>, %arg5: memref<128x128xbf16, #tpu.memory_space<vmem>>, %arg6: memref<128x128xbf16, #tpu.memory_space<vmem>>, %arg7: memref<1x128xf32, #tpu.memory_space<vmem>>, %arg8: memref<128x128xbf16, #tpu.memory_space<vmem>>, %arg9: memref<1x128xf32, #tpu.memory_space<vmem>>, %arg10: memref<128x128xbf16, #tpu.memory_space<vmem>>, %arg11: memref<1x128xf32, #tpu.memory_space<vmem>>, %arg12: memref<1x128xf32, #tpu.memory_space<vmem>>, %arg13: memref<1x128xf32, #tpu.memory_space<vmem>>, %arg14: memref<2000x128xf32, #tpu.memory_space<vmem>>, %arg15: memref<2000x128xf32, #tpu.memory_space<vmem>>) attributes {dimension_semantics = [#tpu.dimension_semantics<arbitrary>], iteration_bounds = array<i64: 160>, scalar_prefetch = 0 : i64, scratch_operands = 0 : i64, tpu.core_type = #tpu.core_type<tc>, window_params = [{transform_indices = @transform_0, window_bounds = array<i64: 2000, 128>}, {transform_indices = @transform_1, window_bounds = array<i64: 2000, 128>}, {transform_indices = @transform_2, window_bounds = array<i64: 2000, 128>}, {pipeline_mode = #tpu.pipeline_mode<synchronous>, transform_indices = @transform_3, window_bounds = array<i64: 128, 128>}, {pipeline_mode = #tpu.pipeline_mode<synchronous>, transform_indices = @transform_4, window_bounds = array<i64: 128, 128>}, {pipeline_mode = #tpu.pipeline_mode<synchronous>, transform_indices = @transform_5, window_bounds = array<i64: 128, 128>}, {pipeline_mode = #tpu.pipeline_mode<synchronous>, transform_indices = @transform_6, window_bounds = array<i64: 1, 128>}, {pipeline_mode = #tpu.pipeline_mode<synchronous>, transform_indices = @transform_7, window_bounds = array<i64: 128, 128>}, {pipeline_mode = #tpu.pipeline_mode<synchronous>, transform_indices = @transform_8, window_bounds = array<i64: 1, 128>}, {pipeline_mode = #tpu.pipeline_mode<synchronous>, transform_indices = @transform_9, window_bounds = array<i64: 128, 128>}, {pipeline_mode = #tpu.pipeline_mode<synchronous>, transform_indices = @transform_10, window_bounds = array<i64: 1, 128>}, {pipeline_mode = #tpu.pipeline_mode<synchronous>, transform_indices = @transform_11, window_bounds = array<i64: 1, 128>}, {pipeline_mode = #tpu.pipeline_mode<synchronous>, transform_indices = @transform_12, window_bounds = array<i64: 1, 128>}, {transform_indices = @transform_13, window_bounds = array<i64: 2000, 128>}, {transform_indices = @transform_14, window_bounds = array<i64: 2000, 128>}]} {
    %get3A = arith.constant 0 : index
    %get3A_0 = arith.constant 0 : index
    %get3A_1 = vector.load %arg3[%get3A, %get3A_0] : memref<2000x128xf32, #tpu.memory_space<vmem>>, vector<2000x128xf32>
    %convert_element_type3A = arith.truncf %get3A_1 : vector<2000x128xf32> to vector<2000x128xbf16>
    %get3A_2 = arith.constant 0 : index
    %get3A_3 = arith.constant 0 : index
    %get3A_4 = vector.load %arg1[%get3A_2, %get3A_3] : memref<2000x128xbf16, #tpu.memory_space<vmem>>, vector<2000x128xbf16>
    %get3A_5 = arith.constant 0 : index
    %get3A_6 = arith.constant 0 : index
    %get3A_7 = vector.load %arg4[%get3A_5, %get3A_6] : memref<128x128xbf16, #tpu.memory_space<vmem>>, vector<128x128xbf16>
    %dot_general3A = arith.constant dense<0.000000e+00> : vector<2000x128xf32>
    %dot_general3A_8 = tpu.matmul %get3A_4, %get3A_7, %dot_general3A {dimension_numbers = #tpu.dot_dimension_numbers<[1], [0], [0], [1], [0, 0, 1, 1], [], []>, transpose_lhs_hint = false} : vector<2000x128xbf16>, vector<128x128xbf16>, vector<2000x128xf32> -> vector<2000x128xf32>
    %get3A_9 = arith.constant 0 : index
    %get3A_10 = arith.constant 0 : index
    %get3A_11 = vector.load %arg2[%get3A_9, %get3A_10] : memref<2000x128xbf16, #tpu.memory_space<vmem>>, vector<2000x128xbf16>
    %get3A_12 = arith.constant 0 : index
    %get3A_13 = arith.constant 0 : index
    %get3A_14 = vector.load %arg5[%get3A_12, %get3A_13] : memref<128x128xbf16, #tpu.memory_space<vmem>>, vector<128x128xbf16>
    %dot_general3A_15 = arith.constant dense<0.000000e+00> : vector<2000x128xf32>
    %dot_general3A_16 = tpu.matmul %get3A_11, %get3A_14, %dot_general3A_15 {dimension_numbers = #tpu.dot_dimension_numbers<[1], [0], [0], [1], [0, 0, 1, 1], [], []>, transpose_lhs_hint = false} : vector<2000x128xbf16>, vector<128x128xbf16>, vector<2000x128xf32> -> vector<2000x128xf32>
    %add3A = arith.addf %dot_general3A_8, %dot_general3A_16 : vector<2000x128xf32>
    %get3A_17 = arith.constant 0 : index
    %get3A_18 = arith.constant 0 : index
    %get3A_19 = vector.load %arg6[%get3A_17, %get3A_18] : memref<128x128xbf16, #tpu.memory_space<vmem>>, vector<128x128xbf16>
    %dot_general3A_20 = arith.constant dense<0.000000e+00> : vector<2000x128xf32>
    %dot_general3A_21 = tpu.matmul %convert_element_type3A, %get3A_19, %dot_general3A_20 {dimension_numbers = #tpu.dot_dimension_numbers<[1], [0], [0], [1], [0, 0, 1, 1], [], []>, transpose_lhs_hint = false} : vector<2000x128xbf16>, vector<128x128xbf16>, vector<2000x128xf32> -> vector<2000x128xf32>
    %add3A_22 = arith.addf %add3A, %dot_general3A_21 : vector<2000x128xf32>
    %get3A_23 = arith.constant 0 : index
    %get3A_24 = arith.constant 0 : index
    %get3A_25 = vector.load %arg7[%get3A_23, %get3A_24] : memref<1x128xf32, #tpu.memory_space<vmem>>, vector<1x128xf32>
    %add3A_26 = vector.broadcast %get3A_25 : vector<1x128xf32> to vector<2000x128xf32>
    %add3A_27 = arith.addf %add3A_22, %add3A_26 : vector<2000x128xf32>
    %max3A = arith.constant 0.000000e+00 : f32
    %max3A_28 = vector.broadcast %max3A : f32 to vector<2000x128xf32>
    %max3A_29 = arith.maximumf %add3A_27, %max3A_28 : vector<2000x128xf32>
    %convert_element_type3A_30 = arith.truncf %max3A_29 : vector<2000x128xf32> to vector<2000x128xbf16>
    %get3A_31 = arith.constant 0 : index
    %get3A_32 = arith.constant 0 : index
    %get3A_33 = vector.load %arg8[%get3A_31, %get3A_32] : memref<128x128xbf16, #tpu.memory_space<vmem>>, vector<128x128xbf16>
    %dot_general3A_34 = arith.constant dense<0.000000e+00> : vector<2000x128xf32>
    %dot_general3A_35 = tpu.matmul %convert_element_type3A_30, %get3A_33, %dot_general3A_34 {dimension_numbers = #tpu.dot_dimension_numbers<[1], [0], [0], [1], [0, 0, 1, 1], [], []>, transpose_lhs_hint = false} : vector<2000x128xbf16>, vector<128x128xbf16>, vector<2000x128xf32> -> vector<2000x128xf32>
    %get3A_36 = arith.constant 0 : index
    %get3A_37 = arith.constant 0 : index
    %get3A_38 = vector.load %arg9[%get3A_36, %get3A_37] : memref<1x128xf32, #tpu.memory_space<vmem>>, vector<1x128xf32>
    %add3A_39 = vector.broadcast %get3A_38 : vector<1x128xf32> to vector<2000x128xf32>
    %add3A_40 = arith.addf %dot_general3A_35, %add3A_39 : vector<2000x128xf32>
    %max3A_41 = arith.constant 0.000000e+00 : f32
    %max3A_42 = vector.broadcast %max3A_41 : f32 to vector<2000x128xf32>
    %max3A_43 = arith.maximumf %add3A_40, %max3A_42 : vector<2000x128xf32>
    %convert_element_type3A_44 = arith.truncf %max3A_43 : vector<2000x128xf32> to vector<2000x128xbf16>
    %get3A_45 = arith.constant 0 : index
    %get3A_46 = arith.constant 0 : index
    %get3A_47 = vector.load %arg10[%get3A_45, %get3A_46] : memref<128x128xbf16, #tpu.memory_space<vmem>>, vector<128x128xbf16>
    %dot_general3A_48 = arith.constant dense<0.000000e+00> : vector<2000x128xf32>
    %dot_general3A_49 = tpu.matmul %convert_element_type3A_44, %get3A_47, %dot_general3A_48 {dimension_numbers = #tpu.dot_dimension_numbers<[1], [0], [0], [1], [0, 0, 1, 1], [], []>, transpose_lhs_hint = false} : vector<2000x128xbf16>, vector<128x128xbf16>, vector<2000x128xf32> -> vector<2000x128xf32>
    %get3A_50 = arith.constant 0 : index
    %get3A_51 = arith.constant 0 : index
    %get3A_52 = vector.load %arg11[%get3A_50, %get3A_51] : memref<1x128xf32, #tpu.memory_space<vmem>>, vector<1x128xf32>
    %add3A_53 = vector.broadcast %get3A_52 : vector<1x128xf32> to vector<2000x128xf32>
    %add3A_54 = arith.addf %dot_general3A_49, %add3A_53 : vector<2000x128xf32>
    %reduce_sum3A = arith.constant dense<0.000000e+00> : vector<2000xf32>
    %reduce_sum3A_55 = vector.multi_reduction <add>, %add3A_54, %reduce_sum3A [1] : vector<2000x128xf32> to vector<2000xf32>
    %broadcast_in_dim3A = vector.shape_cast %reduce_sum3A_55 : vector<2000xf32> to vector<2000x1xf32>
    %div3A = arith.constant 1.280000e+02 : f32
    %div3A_56 = vector.broadcast %div3A : f32 to vector<2000x1xf32>
    %div3A_57 = arith.divf %broadcast_in_dim3A, %div3A_56 : vector<2000x1xf32>
    %sub3A = vector.broadcast %div3A_57 : vector<2000x1xf32> to vector<2000x128xf32>
    %sub3A_58 = arith.subf %add3A_54, %sub3A : vector<2000x128xf32>
    %mul3A = arith.mulf %sub3A_58, %sub3A_58 : vector<2000x128xf32>
    %reduce_sum3A_59 = arith.constant dense<0.000000e+00> : vector<2000xf32>
    %reduce_sum3A_60 = vector.multi_reduction <add>, %mul3A, %reduce_sum3A_59 [1] : vector<2000x128xf32> to vector<2000xf32>
    %broadcast_in_dim3A_61 = vector.shape_cast %reduce_sum3A_60 : vector<2000xf32> to vector<2000x1xf32>
    %div3A_62 = arith.constant 1.280000e+02 : f32
    %div3A_63 = vector.broadcast %div3A_62 : f32 to vector<2000x1xf32>
    %div3A_64 = arith.divf %broadcast_in_dim3A_61, %div3A_63 : vector<2000x1xf32>
    %add3A_65 = arith.constant 9.99999974E-6 : f32
    %add3A_66 = vector.broadcast %add3A_65 : f32 to vector<2000x1xf32>
    %add3A_67 = arith.addf %div3A_64, %add3A_66 : vector<2000x1xf32>
    %rsqrt3A = math.rsqrt %add3A_67 : vector<2000x1xf32>
    %mul3A_68 = vector.broadcast %rsqrt3A : vector<2000x1xf32> to vector<2000x128xf32>
    %mul3A_69 = arith.mulf %sub3A_58, %mul3A_68 : vector<2000x128xf32>
    %get3A_70 = arith.constant 0 : index
    %get3A_71 = arith.constant 0 : index
    %get3A_72 = vector.load %arg12[%get3A_70, %get3A_71] : memref<1x128xf32, #tpu.memory_space<vmem>>, vector<1x128xf32>
    %mul3A_73 = vector.broadcast %get3A_72 : vector<1x128xf32> to vector<2000x128xf32>
    %mul3A_74 = arith.mulf %mul3A_69, %mul3A_73 : vector<2000x128xf32>
    %get3A_75 = arith.constant 0 : index
    %get3A_76 = arith.constant 0 : index
    %get3A_77 = vector.load %arg13[%get3A_75, %get3A_76] : memref<1x128xf32, #tpu.memory_space<vmem>>, vector<1x128xf32>
    %add3A_78 = vector.broadcast %get3A_77 : vector<1x128xf32> to vector<2000x128xf32>
    %add3A_79 = arith.addf %mul3A_74, %add3A_78 : vector<2000x128xf32>
    %swap3A = arith.constant 0 : index
    %swap3A_80 = arith.constant 0 : index
    %swap3A_81 = vector.load %arg14[%swap3A, %swap3A_80] : memref<2000x128xf32, #tpu.memory_space<vmem>>, vector<2000x128xf32>
    tpu.vector_store %arg14[%swap3A, %swap3A_80], %add3A_79 {strides = array<i32>} : memref<2000x128xf32, #tpu.memory_space<vmem>>, vector<2000x128xf32>,
    %get3A_82 = arith.constant 0 : index
    %get3A_83 = arith.constant 0 : index
    %get3A_84 = vector.load %arg3[%get3A_82, %get3A_83] : memref<2000x128xf32, #tpu.memory_space<vmem>>, vector<2000x128xf32>
    %add3A_85 = arith.addf %add3A_79, %get3A_84 : vector<2000x128xf32>
    %swap3A_86 = arith.constant 0 : index
    %swap3A_87 = arith.constant 0 : index
    %swap3A_88 = vector.load %arg15[%swap3A_86, %swap3A_87] : memref<2000x128xf32, #tpu.memory_space<vmem>>, vector<2000x128xf32>
    tpu.vector_store %arg15[%swap3A_86, %swap3A_87], %add3A_85 {strides = array<i32>} : memref<2000x128xf32, #tpu.memory_space<vmem>>, vector<2000x128xf32>,
    return
  }
  func.func @transform_0(%arg0: i32) -> (i32, i32) {
    %c0_i32 = arith.constant 0 : i32
    %c0_i32_0 = arith.constant 0 : i32
    return %arg0, %c0_i32 : i32, i32
  }
  func.func @transform_1(%arg0: i32) -> (i32, i32) {
    %c0_i32 = arith.constant 0 : i32
    %c0_i32_0 = arith.constant 0 : i32
    return %arg0, %c0_i32 : i32, i32
  }
  func.func @transform_2(%arg0: i32) -> (i32, i32) {
    %c0_i32 = arith.constant 0 : i32
    %c0_i32_0 = arith.constant 0 : i32
    return %arg0, %c0_i32 : i32, i32
  }
  func.func @transform_3(%arg0: i32) -> (i32, i32) {
    %c0_i32 = arith.constant 0 : i32
    %c0_i32_0 = arith.constant 0 : i32
    %c0_i32_1 = arith.constant 0 : i32
    return %c0_i32, %c0_i32_0 : i32, i32
  }
  func.func @transform_4(%arg0: i32) -> (i32, i32) {
    %c0_i32 = arith.constant 0 : i32
    %c0_i32_0 = arith.constant 0 : i32
    %c0_i32_1 = arith.constant 0 : i32
    return %c0_i32, %c0_i32_0 : i32, i32
  }
  func.func @transform_5(%arg0: i32) -> (i32, i32) {
    %c0_i32 = arith.constant 0 : i32
    %c0_i32_0 = arith.constant 0 : i32
    %c0_i32_1 = arith.constant 0 : i32
    return %c0_i32, %c0_i32_0 : i32, i32
  }
  func.func @transform_6(%arg0: i32) -> (i32, i32) {
    %c0_i32 = arith.constant 0 : i32
    %c0_i32_0 = arith.constant 0 : i32
    %c0_i32_1 = arith.constant 0 : i32
    return %c0_i32, %c0_i32_0 : i32, i32
  }
  func.func @transform_7(%arg0: i32) -> (i32, i32) {
    %c0_i32 = arith.constant 0 : i32
    %c0_i32_0 = arith.constant 0 : i32
    %c0_i32_1 = arith.constant 0 : i32
    return %c0_i32, %c0_i32_0 : i32, i32
  }
  func.func @transform_8(%arg0: i32) -> (i32, i32) {
    %c0_i32 = arith.constant 0 : i32
    %c0_i32_0 = arith.constant 0 : i32
    %c0_i32_1 = arith.constant 0 : i32
    return %c0_i32, %c0_i32_0 : i32, i32
  }
  func.func @transform_9(%arg0: i32) -> (i32, i32) {
    %c0_i32 = arith.constant 0 : i32
    %c0_i32_0 = arith.constant 0 : i32
    %c0_i32_1 = arith.constant 0 : i32
    return %c0_i32, %c0_i32_0 : i32, i32
  }
  func.func @transform_10(%arg0: i32) -> (i32, i32) {
    %c0_i32 = arith.constant 0 : i32
    %c0_i32_0 = arith.constant 0 : i32
    %c0_i32_1 = arith.constant 0 : i32
    return %c0_i32, %c0_i32_0 : i32, i32
  }
  func.func @transform_11(%arg0: i32) -> (i32, i32) {
    %c0_i32 = arith.constant 0 : i32
    %c0_i32_0 = arith.constant 0 : i32
    %c0_i32_1 = arith.constant 0 : i32
    return %c0_i32, %c0_i32_0 : i32, i32
  }
  func.func @transform_12(%arg0: i32) -> (i32, i32) {
    %c0_i32 = arith.constant 0 : i32
    %c0_i32_0 = arith.constant 0 : i32
    %c0_i32_1 = arith.constant 0 : i32
    return %c0_i32, %c0_i32_0 : i32, i32
  }
  func.func @transform_13(%arg0: i32) -> (i32, i32) {
    %c0_i32 = arith.constant 0 : i32
    %c0_i32_0 = arith.constant 0 : i32
    return %arg0, %c0_i32 : i32, i32
  }
  func.func @transform_14(%arg0: i32) -> (i32, i32) {
    %c0_i32 = arith.constant 0 : i32
    %c0_i32_0 = arith.constant 0 : i32
    return %arg0, %c0_i32 : i32, i32
  }
}

module attributes {stable_mosaic.version = 14 : i64} {
  func.func @_node_body(%arg0: i32, %arg1: memref<1000x128xf32, #tpu.memory_space<vmem>>, %arg2: memref<2x1000x128xf32, #tpu.memory_space<vmem>>, %arg3: memref<128x128xf32, #tpu.memory_space<vmem>>, %arg4: memref<128x128xf32, #tpu.memory_space<vmem>>, %arg5: memref<1x128xf32, #tpu.memory_space<vmem>>, %arg6: memref<128x128xf32, #tpu.memory_space<vmem>>, %arg7: memref<1x128xf32, #tpu.memory_space<vmem>>, %arg8: memref<128x128xf32, #tpu.memory_space<vmem>>, %arg9: memref<1x128xf32, #tpu.memory_space<vmem>>, %arg10: memref<1x128xf32, #tpu.memory_space<vmem>>, %arg11: memref<1x128xf32, #tpu.memory_space<vmem>>, %arg12: memref<1000x128xf32, #tpu.memory_space<vmem>>) attributes {dimension_semantics = [#tpu.dimension_semantics<arbitrary>], iteration_bounds = array<i64: 10>, scalar_prefetch = 0 : i64, scratch_operands = 0 : i64, tpu.core_type = #tpu.core_type<tc>, window_params = [{transform_indices = @transform_0, window_bounds = array<i64: 1000, 128>}, {transform_indices = @transform_1, window_bounds = array<i64: 2, 1000, 128>}, {pipeline_mode = #tpu.pipeline_mode<synchronous>, transform_indices = @transform_2, window_bounds = array<i64: 128, 128>}, {pipeline_mode = #tpu.pipeline_mode<synchronous>, transform_indices = @transform_3, window_bounds = array<i64: 128, 128>}, {pipeline_mode = #tpu.pipeline_mode<synchronous>, transform_indices = @transform_4, window_bounds = array<i64: 1, 128>}, {pipeline_mode = #tpu.pipeline_mode<synchronous>, transform_indices = @transform_5, window_bounds = array<i64: 128, 128>}, {pipeline_mode = #tpu.pipeline_mode<synchronous>, transform_indices = @transform_6, window_bounds = array<i64: 1, 128>}, {pipeline_mode = #tpu.pipeline_mode<synchronous>, transform_indices = @transform_7, window_bounds = array<i64: 128, 128>}, {pipeline_mode = #tpu.pipeline_mode<synchronous>, transform_indices = @transform_8, window_bounds = array<i64: 1, 128>}, {pipeline_mode = #tpu.pipeline_mode<synchronous>, transform_indices = @transform_9, window_bounds = array<i64: 1, 128>}, {pipeline_mode = #tpu.pipeline_mode<synchronous>, transform_indices = @transform_10, window_bounds = array<i64: 1, 128>}, {transform_indices = @transform_11, window_bounds = array<i64: 1000, 128>}]} {
    %get3A = arith.constant 0 : index
    %get3A_0 = arith.constant 0 : index
    %get3A_1 = arith.constant 0 : index
    %get3A_2 = vector.load %arg2[%get3A, %get3A_0, %get3A_1] : memref<2x1000x128xf32, #tpu.memory_space<vmem>>, vector<1x1000x128xf32>
    %get3A_3 = vector.shape_cast %get3A_2 : vector<1x1000x128xf32> to vector<1000x128xf32>
    %get3A_4 = arith.constant 1 : index
    %get3A_5 = arith.constant 0 : index
    %get3A_6 = arith.constant 0 : index
    %get3A_7 = vector.load %arg2[%get3A_4, %get3A_5, %get3A_6] : memref<2x1000x128xf32, #tpu.memory_space<vmem>>, vector<1x1000x128xf32>
    %get3A_8 = vector.shape_cast %get3A_7 : vector<1x1000x128xf32> to vector<1000x128xf32>
    %add3A = arith.addf %get3A_3, %get3A_8 : vector<1000x128xf32>
    %get3A_9 = arith.constant 0 : index
    %get3A_10 = arith.constant 0 : index
    %get3A_11 = vector.load %arg1[%get3A_9, %get3A_10] : memref<1000x128xf32, #tpu.memory_space<vmem>>, vector<1000x128xf32>
    %get3A_12 = arith.constant 0 : index
    %get3A_13 = arith.constant 0 : index
    %get3A_14 = vector.load %arg3[%get3A_12, %get3A_13] : memref<128x128xf32, #tpu.memory_space<vmem>>, vector<128x128xf32>
    %dot_general3A = arith.constant dense<0.000000e+00> : vector<1000x128xf32>
    %dot_general3A_15 = tpu.matmul %get3A_11, %get3A_14, %dot_general3A {dimension_numbers = #tpu.dot_dimension_numbers<[1], [0], [0], [1], [0, 0, 1, 1], [], []>, transpose_lhs_hint = false} : vector<1000x128xf32>, vector<128x128xf32>, vector<1000x128xf32> -> vector<1000x128xf32>
    %get3A_16 = arith.constant 0 : index
    %get3A_17 = arith.constant 0 : index
    %get3A_18 = vector.load %arg4[%get3A_16, %get3A_17] : memref<128x128xf32, #tpu.memory_space<vmem>>, vector<128x128xf32>
    %dot_general3A_19 = arith.constant dense<0.000000e+00> : vector<1000x128xf32>
    %dot_general3A_20 = tpu.matmul %add3A, %get3A_18, %dot_general3A_19 {dimension_numbers = #tpu.dot_dimension_numbers<[1], [0], [0], [1], [0, 0, 1, 1], [], []>, transpose_lhs_hint = false} : vector<1000x128xf32>, vector<128x128xf32>, vector<1000x128xf32> -> vector<1000x128xf32>
    %add3A_21 = arith.addf %dot_general3A_15, %dot_general3A_20 : vector<1000x128xf32>
    %get3A_22 = arith.constant 0 : index
    %get3A_23 = arith.constant 0 : index
    %get3A_24 = vector.load %arg5[%get3A_22, %get3A_23] : memref<1x128xf32, #tpu.memory_space<vmem>>, vector<1x128xf32>
    %add3A_25 = vector.broadcast %get3A_24 : vector<1x128xf32> to vector<1000x128xf32>
    %add3A_26 = arith.addf %add3A_21, %add3A_25 : vector<1000x128xf32>
    %max3A = arith.constant 0.000000e+00 : f32
    %max3A_27 = vector.broadcast %max3A : f32 to vector<1000x128xf32>
    %max3A_28 = arith.maximumf %add3A_26, %max3A_27 : vector<1000x128xf32>
    %get3A_29 = arith.constant 0 : index
    %get3A_30 = arith.constant 0 : index
    %get3A_31 = vector.load %arg6[%get3A_29, %get3A_30] : memref<128x128xf32, #tpu.memory_space<vmem>>, vector<128x128xf32>
    %dot_general3A_32 = arith.constant dense<0.000000e+00> : vector<1000x128xf32>
    %dot_general3A_33 = tpu.matmul %max3A_28, %get3A_31, %dot_general3A_32 {dimension_numbers = #tpu.dot_dimension_numbers<[1], [0], [0], [1], [0, 0, 1, 1], [], []>, transpose_lhs_hint = false} : vector<1000x128xf32>, vector<128x128xf32>, vector<1000x128xf32> -> vector<1000x128xf32>
    %get3A_34 = arith.constant 0 : index
    %get3A_35 = arith.constant 0 : index
    %get3A_36 = vector.load %arg7[%get3A_34, %get3A_35] : memref<1x128xf32, #tpu.memory_space<vmem>>, vector<1x128xf32>
    %add3A_37 = vector.broadcast %get3A_36 : vector<1x128xf32> to vector<1000x128xf32>
    %add3A_38 = arith.addf %dot_general3A_33, %add3A_37 : vector<1000x128xf32>
    %max3A_39 = arith.constant 0.000000e+00 : f32
    %max3A_40 = vector.broadcast %max3A_39 : f32 to vector<1000x128xf32>
    %max3A_41 = arith.maximumf %add3A_38, %max3A_40 : vector<1000x128xf32>
    %get3A_42 = arith.constant 0 : index
    %get3A_43 = arith.constant 0 : index
    %get3A_44 = vector.load %arg8[%get3A_42, %get3A_43] : memref<128x128xf32, #tpu.memory_space<vmem>>, vector<128x128xf32>
    %dot_general3A_45 = arith.constant dense<0.000000e+00> : vector<1000x128xf32>
    %dot_general3A_46 = tpu.matmul %max3A_41, %get3A_44, %dot_general3A_45 {dimension_numbers = #tpu.dot_dimension_numbers<[1], [0], [0], [1], [0, 0, 1, 1], [], []>, transpose_lhs_hint = false} : vector<1000x128xf32>, vector<128x128xf32>, vector<1000x128xf32> -> vector<1000x128xf32>
    %get3A_47 = arith.constant 0 : index
    %get3A_48 = arith.constant 0 : index
    %get3A_49 = vector.load %arg9[%get3A_47, %get3A_48] : memref<1x128xf32, #tpu.memory_space<vmem>>, vector<1x128xf32>
    %add3A_50 = vector.broadcast %get3A_49 : vector<1x128xf32> to vector<1000x128xf32>
    %add3A_51 = arith.addf %dot_general3A_46, %add3A_50 : vector<1000x128xf32>
    %reduce_sum3A = arith.constant dense<0.000000e+00> : vector<1000xf32>
    %reduce_sum3A_52 = vector.multi_reduction <add>, %add3A_51, %reduce_sum3A [1] : vector<1000x128xf32> to vector<1000xf32>
    %broadcast_in_dim3A = vector.shape_cast %reduce_sum3A_52 : vector<1000xf32> to vector<1000x1xf32>
    %div3A = arith.constant 1.280000e+02 : f32
    %div3A_53 = vector.broadcast %div3A : f32 to vector<1000x1xf32>
    %div3A_54 = arith.divf %broadcast_in_dim3A, %div3A_53 : vector<1000x1xf32>
    %sub3A = vector.broadcast %div3A_54 : vector<1000x1xf32> to vector<1000x128xf32>
    %sub3A_55 = arith.subf %add3A_51, %sub3A : vector<1000x128xf32>
    %mul3A = arith.mulf %sub3A_55, %sub3A_55 : vector<1000x128xf32>
    %reduce_sum3A_56 = arith.constant dense<0.000000e+00> : vector<1000xf32>
    %reduce_sum3A_57 = vector.multi_reduction <add>, %mul3A, %reduce_sum3A_56 [1] : vector<1000x128xf32> to vector<1000xf32>
    %broadcast_in_dim3A_58 = vector.shape_cast %reduce_sum3A_57 : vector<1000xf32> to vector<1000x1xf32>
    %div3A_59 = arith.constant 1.280000e+02 : f32
    %div3A_60 = vector.broadcast %div3A_59 : f32 to vector<1000x1xf32>
    %div3A_61 = arith.divf %broadcast_in_dim3A_58, %div3A_60 : vector<1000x1xf32>
    %add3A_62 = arith.constant 9.99999974E-6 : f32
    %add3A_63 = vector.broadcast %add3A_62 : f32 to vector<1000x1xf32>
    %add3A_64 = arith.addf %div3A_61, %add3A_63 : vector<1000x1xf32>
    %rsqrt3A = math.rsqrt %add3A_64 : vector<1000x1xf32>
    %mul3A_65 = vector.broadcast %rsqrt3A : vector<1000x1xf32> to vector<1000x128xf32>
    %mul3A_66 = arith.mulf %sub3A_55, %mul3A_65 : vector<1000x128xf32>
    %get3A_67 = arith.constant 0 : index
    %get3A_68 = arith.constant 0 : index
    %get3A_69 = vector.load %arg10[%get3A_67, %get3A_68] : memref<1x128xf32, #tpu.memory_space<vmem>>, vector<1x128xf32>
    %mul3A_70 = vector.broadcast %get3A_69 : vector<1x128xf32> to vector<1000x128xf32>
    %mul3A_71 = arith.mulf %mul3A_66, %mul3A_70 : vector<1000x128xf32>
    %get3A_72 = arith.constant 0 : index
    %get3A_73 = arith.constant 0 : index
    %get3A_74 = vector.load %arg11[%get3A_72, %get3A_73] : memref<1x128xf32, #tpu.memory_space<vmem>>, vector<1x128xf32>
    %add3A_75 = vector.broadcast %get3A_74 : vector<1x128xf32> to vector<1000x128xf32>
    %add3A_76 = arith.addf %mul3A_71, %add3A_75 : vector<1000x128xf32>
    %get3A_77 = arith.constant 0 : index
    %get3A_78 = arith.constant 0 : index
    %get3A_79 = vector.load %arg1[%get3A_77, %get3A_78] : memref<1000x128xf32, #tpu.memory_space<vmem>>, vector<1000x128xf32>
    %add3A_80 = arith.addf %add3A_76, %get3A_79 : vector<1000x128xf32>
    %swap3A = arith.constant 0 : index
    %swap3A_81 = arith.constant 0 : index
    %swap3A_82 = vector.load %arg12[%swap3A, %swap3A_81] : memref<1000x128xf32, #tpu.memory_space<vmem>>, vector<1000x128xf32>
    tpu.vector_store %arg12[%swap3A, %swap3A_81], %add3A_80 {strides = array<i32>} : memref<1000x128xf32, #tpu.memory_space<vmem>>, vector<1000x128xf32>,
    return
  }
  func.func @transform_0(%arg0: i32) -> (i32, i32) {
    %c0_i32 = arith.constant 0 : i32
    %c0_i32_0 = arith.constant 0 : i32
    return %arg0, %c0_i32 : i32, i32
  }
  func.func @transform_1(%arg0: i32) -> (i32, i32, i32) {
    %c0_i32 = arith.constant 0 : i32
    %c0_i32_0 = arith.constant 0 : i32
    %c0_i32_1 = arith.constant 0 : i32
    return %c0_i32, %arg0, %c0_i32_0 : i32, i32, i32
  }
  func.func @transform_2(%arg0: i32) -> (i32, i32) {
    %c0_i32 = arith.constant 0 : i32
    %c0_i32_0 = arith.constant 0 : i32
    %c0_i32_1 = arith.constant 0 : i32
    return %c0_i32, %c0_i32_0 : i32, i32
  }
  func.func @transform_3(%arg0: i32) -> (i32, i32) {
    %c0_i32 = arith.constant 0 : i32
    %c0_i32_0 = arith.constant 0 : i32
    %c0_i32_1 = arith.constant 0 : i32
    return %c0_i32, %c0_i32_0 : i32, i32
  }
  func.func @transform_4(%arg0: i32) -> (i32, i32) {
    %c0_i32 = arith.constant 0 : i32
    %c0_i32_0 = arith.constant 0 : i32
    %c0_i32_1 = arith.constant 0 : i32
    return %c0_i32, %c0_i32_0 : i32, i32
  }
  func.func @transform_5(%arg0: i32) -> (i32, i32) {
    %c0_i32 = arith.constant 0 : i32
    %c0_i32_0 = arith.constant 0 : i32
    %c0_i32_1 = arith.constant 0 : i32
    return %c0_i32, %c0_i32_0 : i32, i32
  }
  func.func @transform_6(%arg0: i32) -> (i32, i32) {
    %c0_i32 = arith.constant 0 : i32
    %c0_i32_0 = arith.constant 0 : i32
    %c0_i32_1 = arith.constant 0 : i32
    return %c0_i32, %c0_i32_0 : i32, i32
  }
  func.func @transform_7(%arg0: i32) -> (i32, i32) {
    %c0_i32 = arith.constant 0 : i32
    %c0_i32_0 = arith.constant 0 : i32
    %c0_i32_1 = arith.constant 0 : i32
    return %c0_i32, %c0_i32_0 : i32, i32
  }
  func.func @transform_8(%arg0: i32) -> (i32, i32) {
    %c0_i32 = arith.constant 0 : i32
    %c0_i32_0 = arith.constant 0 : i32
    %c0_i32_1 = arith.constant 0 : i32
    return %c0_i32, %c0_i32_0 : i32, i32
  }
  func.func @transform_9(%arg0: i32) -> (i32, i32) {
    %c0_i32 = arith.constant 0 : i32
    %c0_i32_0 = arith.constant 0 : i32
    %c0_i32_1 = arith.constant 0 : i32
    return %c0_i32, %c0_i32_0 : i32, i32
  }
  func.func @transform_10(%arg0: i32) -> (i32, i32) {
    %c0_i32 = arith.constant 0 : i32
    %c0_i32_0 = arith.constant 0 : i32
    %c0_i32_1 = arith.constant 0 : i32
    return %c0_i32, %c0_i32_0 : i32, i32
  }
  func.func @transform_11(%arg0: i32) -> (i32, i32) {
    %c0_i32 = arith.constant 0 : i32
    %c0_i32_0 = arith.constant 0 : i32
    return %arg0, %c0_i32 : i32, i32
  }
}

</mosaic_0001>

<sc_bundles>
// kernel: kernel.6.cloned.1.call-start
scs
__scs_entry_jumppad:
0x0: {  	(pc) =	sbr.rel $0x88, $3  }
0x1: {  	(tag) =	ssettag $0x0;
	lr =	simm.s32 $0x1  }
0x2: {  	[smem:$0x3F8D] =	sst lr;
	_ =	strace $0xD0000000  }
0x3: {  	_ = 	snop  }
0x4: {  	_ = 	snop  }
0x5: {  	_ = 	snop  }
0x6: {  	_ = 	snop  }
0x7: {  	_ = 	snop  }
__scs_overlays_trampoline_lowered:
0x8: {  	[smem:$0x3F9C] =	sst s0  }
0x9: {  	[smem:$0x3F9D] =	sst s1  }
0xa: {  	[smem:$0x3F9E] =	sst s2  }
0xb: {  	[smem:$0x3F9F] =	sst s3  }
0xc: {  	[smem:$0x3FA0] =	sst s4  }
0xd: {  	[smem:$0x3FA1] =	sst s5  }
0xe: {  	[smem:$0x3FA2] =	sst s6  }
0xf: {  	[smem:$0x3FA3] =	sst s7  }
0x10: {  	[smem:$0x3FA4] =	sst s8  }
0x11: {  	[smem:$0x3FA5] =	sst s9;
	s0 =	simm.s32 @!p0 $0x0  }
0x12: {  	s1 =	sld [smem:$0x3F8B];
	s0 =	simm.s32 @p0 $0x1  }
0x13: {  	[smem:$0x3FA6] =	sst s0;
	s0 =	simm.s32 @!p1 $0x0  }
0x14: {  	s2 =	sld [smem:$0x3F8A];
	s0 =	simm.s32 @p1 $0x1  }
0x15: {  	[smem:$0x3FA7] =	sst s0;
	s0 =	simm.s32 @!p2 $0x0  }
0x16: {  	s3 =	sld [smem:$0x3FDB];
	s0 =	simm.s32 @p2 $0x1  }
0x17: {  	s4 =	simm.s32 $0x1BF5;
	[smem:$0x3FA9] =	sst s0  }
0x18: {  	s0 =	sld [smem:$0x3F8C];
	_ =	swait.ge [sflag:s4], $0x0  }
0x19: {  	s7 =	sld [smem:$0x3F8D]  }
0x1a: {  	s8 =	sadd.s32 $0xFFFFE003, lr  }
0x1b: {  	s9 =	sadd.s32 $0xFFFFFEF7, lr;
	s5 =	simm.s32 $0xFFFFFFFF;
	p2 =	slt.u32 s8, $0xFFFFF086  }
0x1c: {  	p1 =	slt.u32 s9, $0xF7A;
	s5 =	simm.s32 @!p2 $0x0  }
0x1d: {  	s5 =	simm.s32 @p1 $0x1;
	p0 =	seq.s32 s7, s2  }
0x1e: {  	s7 =	smul.u32 @!p0 $0xF7A, s2;
	p2 =	seq.s32 @!p0 s5, $0x0  }
0x1f: {  	s9 =	smul.u32 $0xF7A, s1;
	s8 =	simm.s32 @!p0 $0x1BF5;
	p2 =	por !p2, p0  }
0x20: {  	[sflag:s8] =	ssyncset.s32 @!p0 $0xFFFFF086;
	s6 =	sadd.s32 @!p0 s3, s7;
	s7 =	simm.s32 @!p0 $0x108  }
0x21: {  	s3 =	sadd.s32 s3, s9;
	s6 =	sadd.s32 @!p0 $0x88, s6;
	s7 =	simm.s32 @p2 $0x1082  }
0x22: {  	[simem:s7], [sflag:s8] =	dma.local @!p0 [hbm:s6], $0xF7A  }
0x23: {  	s9 =	sor.u32 $0xD0000000, s2;
	s6 =	simm.s32 $0x108;
	_ =	swait.ge @!p0 [sflag:s8], $0x0  }
0x24: {  	s3 =	sadd.s32 $0x88, s3;
	s6 =	simm.s32 @!p1 $0x1082;
	[sflag:s4] =	ssyncset.s32 $0xFFFFF086  }
0x25: {  	[simem:s6], [sflag:s4] =	dma.local [hbm:s3], $0xF7A  }
0x26: {  	[smem:$0x3F8D] =	sst s1;
	(tag) =	ssettag s2;
	_ =	strace s9  }
0x27: {  	s1 =	sld [smem:$0x3F9D]  }
0x28: {  	s2 =	sld [smem:$0x3F9E]  }
0x29: {  	s4 =	sld [smem:$0x3FA0]  }
0x2a: {  	p0 =	seq.s32 s5, $0x0;
	s5 =	sld [smem:$0x3FA1]  }
0x2b: {  	s6 =	sld [smem:$0x3FA2]  }
0x2c: {  	s7 =	sld [smem:$0x3FA3]  }
0x2d: {  	s3 =	simm.s32 $0x108;
	s8 =	sld [smem:$0x3FA4]  }
0x2e: {  	s3 =	simm.s32 @!p0 $0x1082;
	s9 =	sld [smem:$0x3FA5]  }
0x2f: {  	lr =	sadd.s32 s0, s3;
	s0 =	sld [smem:$0x3F9C]  }
0x30: {  	s3 =	sld [smem:$0x3F9F]  }
0x31: {  	[smem:$0x3FA8] =	sst s10  }
0x32: {  	s10 =	sld [smem:$0x3FA6];
	_ =	sdelay $0x3  }
0x33: {  	p0 =	seq.s32 s10, $0x1;
	s10 =	sld [smem:$0x3FA8];
	_ =	sdelay $0x3  }
0x34: {  	[smem:$0x3FA8] =	sst s10  }
0x35: {  	s10 =	sld [smem:$0x3FA7];
	_ =	sdelay $0x3  }
0x36: {  	p1 =	seq.s32 s10, $0x1;
	s10 =	sld [smem:$0x3FA8];
	_ =	sdelay $0x3  }
0x37: {  	[smem:$0x3FA8] =	sst s10  }
0x38: {  	s10 =	sld [smem:$0x3FA9]  }
0x39: {  	_ = 	snop;
	(pc) =	sbr.ind lr, $3  }
0x3a: {  	_ = 	snop  }
0x3b: {  	_ = 	snop  }
0x3c: {  	p2 =	seq.s32 s10, $0x1;
	s10 =	sld [smem:$0x3FA8]  }
0x3d: {  	_ =	shalt  }
0x3e: {  	_ =	shalt  }
0x3f: {  	_ =	shalt  }
0x40: {  	_ =	shalt  }
0x41: {  	_ =	shalt  }
0x42: {  	_ =	shalt  }
0x43: {  	_ =	shalt  }
0x44: {  	_ =	shalt  }
0x45: {  	_ =	shalt  }
0x46: {  	_ =	shalt  }
0x47: {  	_ =	shalt  }
0x48: {  	_ =	shalt  }
0x49: {  	_ =	shalt  }
0x4a: {  	_ =	shalt  }
0x4b: {  	_ =	shalt  }
0x4c: {  	_ =	shalt  }
0x4d: {  	_ =	shalt  }
0x4e: {  	_ =	shalt  }
0x4f: {  	_ =	shalt  }
0x50: {  	_ =	shalt  }
0x51: {  	_ =	shalt  }
0x52: {  	_ =	shalt  }
0x53: {  	_ =	shalt  }
0x54: {  	_ =	shalt  }
0x55: {  	_ =	shalt  }
0x56: {  	_ =	shalt  }
0x57: {  	_ =	shalt  }
0x58: {  	_ =	shalt  }
0x59: {  	_ =	shalt  }
0x5a: {  	_ =	shalt  }
0x5b: {  	_ =	shalt  }
0x5c: {  	_ =	shalt  }
0x5d: {  	_ =	shalt  }
0x5e: {  	_ =	shalt  }
0x5f: {  	_ =	shalt  }
0x60: {  	_ =	shalt  }
0x61: {  	_ =	shalt  }
0x62: {  	_ =	shalt  }
0x63: {  	_ =	shalt  }
0x64: {  	_ =	shalt  }
0x65: {  	_ =	shalt  }
0x66: {  	_ =	shalt  }
0x67: {  	_ =	shalt  }
0x68: {  	_ =	shalt  }
0x69: {  	_ =	shalt  }
0x6a: {  	_ =	shalt  }
0x6b: {  	_ =	shalt  }
0x6c: {  	_ =	shalt  }
0x6d: {  	_ =	shalt  }
0x6e: {  	_ =	shalt  }
0x6f: {  	_ =	shalt  }
0x70: {  	_ =	shalt  }
0x71: {  	_ =	shalt  }
0x72: {  	_ =	shalt  }
0x73: {  	_ =	shalt  }
0x74: {  	_ =	shalt  }
0x75: {  	_ =	shalt  }
0x76: {  	_ =	shalt  }
0x77: {  	_ =	shalt  }
0x78: {  	_ =	shalt  }
0x79: {  	_ =	shalt  }
0x7a: {  	_ =	shalt  }
0x7b: {  	_ =	shalt  }
0x7c: {  	_ =	shalt  }
0x7d: {  	_ =	shalt  }
0x7e: {  	_ =	shalt  }
0x7f: {  	_ =	shalt  }
0x80: {  	_ =	shalt  }
0x81: {  	_ =	shalt  }
0x82: {  	_ =	shalt  }
0x83: {  	_ =	shalt  }
0x84: {  	_ =	shalt  }
0x85: {  	_ =	shalt  }
0x86: {  	_ =	shalt  }
0x87: {  	_ =	shalt  }
.Lfunc_end0:
.L_simem_size_0:
called_computation.4_lowered:
.L_overlay_start_0:
0x88: {  	s2 =	sld [smem:$0x3FD9]  }
0x89: {  	s3 =	sld [smem:$0x3FFE];
	_ =	sdelay $0x1  }
0x8a: {  	s1 =	srdreg.scid  }
0x8b: {  	s0 =	sand.u32 $0x1, s1  }
0x8c: {  	s14 =	sshll.u32 s0, $0xA;
	s2 =	sadd.s32 s3, s2  }
0x8d: {  	s2 =	sadd.s32 s2, s14  }
0x8e: {  	[smem:$0x3FB4] =	sst s2  }
0x8f: {  	_ = 	snop  }
0x90: {  	s2 =	sld [smem:$0x3FD0];
	_ =	sdelay $0x2  }
0x91: {  	s15 =	simm.s32 $0xB;
	s4 =	simm.s32 $0x10  }
0x92: {  	[smem:s4], [sflag:s15] =	dma.local [hbm:s2], $0x1  }
0x93: {  	_ =	swait.eq [sflag:s15], $0x1  }
0x94: {  	[sflag:s15] =	ssyncset.done $0x0  }
0x95: {  	s16 =	sld [smem:$0x10];
	[sflag:s15] =	ssyncadd.s32 $0xFFFFFFFF  }
0x96: {  	s17 =	sld [smem:$0x11];
	(tm) =	ssettm $0x1  }
0x97: {  	s18 =	sld [smem:$0x3FFB];
	_ =	sdelay $0x3  }
0x98: {  	_ =	strace s18  }
0x99: {  	s4 =	sld [smem:$0x3FFC];
	_ =	sdelay $0x3  }
0x9a: {  	_ =	strace s4  }
0x9b: {  	s4 =	sld [smem:$0x3FFD];
	_ =	sdelay $0x3  }
0x9c: {  	_ =	strace s4  }
0x9d: {  	_ =	strace $0x8FFFFFFF  }
0x9e: {  	s19 =	sld [smem:$0x3FDB];
	_ =	sdelay $0x1  }
0x9f: {  	s5 =	simm.s32 $_scs_section_size  }
0xa0: {  	s6 =	simm.s32 $_size__tile_overlayer_lowered;
	s7 =	simm.s32 $_tile_overlayer_lowered  }
0xa1: {  	s22 =	simm.s32 $0x1BFF;
	s21 =	sshll.u32 s7, $0x1;
	s4 =	sadd.s32 s5, s19  }
0xa2: {  	s8 =	simm.s32 $0x0;
	s20 =	sshll.u32 s6, $0x1;
	s6 =	sadd.s32 s21, s4  }
0xa3: {  	[timem:s8], [sflag:s22] =	dma.local [hbm:s6], s20  }
0xa4: {  	_ =	swait.ge [sflag:s22], s20  }
0xa5: {  	s5 =	ssub.s32 $0x0, s20;
	[sflag:s22] =	ssyncset.done $0x0  }
0xa6: {  	[sflag:s22] =	ssyncadd.s32 s5;
	_ =	sdelay $0x1  }
0xa7: {  	s23 =	simm.s32 $0x1B8B  }
0xa8: {  	_ =	swait.ge [sflag:s23], $0x1  }
0xa9: {  	[sflag:s23] =	ssyncset.done $0x0  }
0xaa: {  	s25 =	simm.s32 $0x1B8E;
	s24 =	sld [smem:$0x3FFE];
	[sflag:s23] =	ssyncadd.s32 $0xFFFFFFFF  }
0xab: {  	s26 =	simm.s32 $execute0_lowered;
	[smem:$0x3FD2] =	sst s25  }
0xac: {  	s6 =	sshll.u32 s26, $0x1;
	_ =	strace $0x80000046;
	[dreg:$0x1] =	wrdreg $0xFFFFFFFF  }
0xad: {  	s28 =	simm.s32 $_size_execute0_lowered;
	s4 =	sadd.s32 s4, s6;
	[dreg:$0x0] =	wrdreg $0x0  }
0xae: {  	s6 =	sshll.u32 s28, $0x1;
	[dreg:$0x2] =	wrdreg s4  }
0xaf: {  	[dreg:$0x3] =	wrdreg s6  }
0xb0: {  	[dreg:$0x4] =	wrdreg $0xC0  }
0xb1: {  	_ =	task [dreg:s8], $0x5FFFF  }
0xb2: {  	[dreg:$0x1] =	wrdreg $0xFFFFFFFF  }
0xb3: {  	[dreg:$0x0] =	wrdreg $0x60  }
0xb4: {  	[dreg:$0x2] =	wrdreg s16  }
0xb5: {  	[dreg:$0x3] =	wrdreg s17  }
0xb6: {  	[dreg:$0x4] =	wrdreg s24  }
0xb7: {  	[dreg:$0x5] =	wrdreg $0x9  }
0xb8: {  	_ =	task.clear_ibuf [dreg:s8], $0x6FFFF;
	_ =	strace $0x90000046  }
0xb9: {  	s29 =	simm.s32 $0x9;
	_ =	strace $0x80000048  }
0xba: {  	_ =	swait.ge [sflag:s29], $0x1  }
0xbb: {  	[sflag:s29] =	ssyncadd.s32 $0xFFFFFFFF  }
0xbc: {  	_ =	strace $0x90000048  }
0xbd: {  	_ =	sfence  }
0xbe: {  	s30 =	sld [smem:$0x0];
	_ =	sdelay $0x2  }
0xbf: {  	s31 =	sshll.u32 s1, $0xD;
	s1 =	sshrl.u32 s1, $0x2  }
0xc0: {  	s3 =	sand.u32 $0x4000, s31;
	s1 =	sadd.s32 s1, s30  }
0xc1: {  	s0 =	sor.u32 s3, s0;
	s1 =	sshll.u32 s1, $0x11  }
0xc2: {  	s0 =	sor.u32 s1, s0  }
0xc3: {  	s0 =	sadd.s32 $0x8F2B, s0  }
0xc4: {  	[sflag:s0] =	ssyncadd.remote.s32 $0x1  }
0xc5: {  	_ =	sfence.sel $0xFFFF  }
0xc6: {  	[dreg:$0x0] =	wrdreg $0xFFFFFFFF;
	(pc) =	sbr.abs _section_cstart, $3  }
0xc7: {  	[dreg:$0x1] =	wrdreg $0xFFFFFFFF  }
0xc8: {  	_ =	task.clear_ibuf [dreg:s8], $0x2FFFF;
	_ =	strace $0x9FFFFFFF  }
0xc9: {  	(tm) =	ssettm $0x7FFFFFFF  }
tec
execute0_lowered:
.L_overlay_start_1:
0x0: {  	(tag) =	ssettag $0x1  }
0x1: {  	s1 =	rddreg [dreg:$0x0]  }
0x2: {  	s3 =	rddreg [dreg:$0x1];
	s0 =	srdreg.scid  }
0x3: {  	s16 =	stileid.u32;
	s2 =	rddreg [dreg:$0x2]  }
0x4: {  	s4 =	simm.s32 $0x0;
	s17 =	simm.s32 $0x50;
	s18 =	simm.s32 $0x140  }
0x5: {  	s19 =	simm.s32 $0x1540;
	s20 =	simm.s32 $0xA0;
	s28 =	simm.s32 $0x4  }
0x6: {  	s29 =	simm.s32 $0x0;
	s6 =	sand.u32 $0x1, s0;
	s8 =	smul.u32 $0x4E20, s16  }
0x7: {  	s21 =	sshll.u32 s16, $0x1;
	[smem:$0x7FF] =	sst s4;
	s31 =	smul.u32 $0x27100, s16  }
0x8: {  	s5 =	sadd.s32 $0x3800, s2;
	s11 =	sadd.s32 $0x27E600, s2;
	s10 =	smul.u32 $0x2710, s6  }
0x9: {  	s0 =	sor.u32 s6, s21;
	s9 =	ssub.s32 $0x2, s6;
	s6 =	smul.u32 $0x13880, s6  }
0xa: {  	s12 =	sadd.s32 $0xD600, s2;
	s16 =	simm.s32 $0x5;
	s7 =	smul.u32 $0x2710, s0  }
0xb: {  	_ =	strace $0x80000047;
	s22 =	sshrl.u32 s9, $0x1;
	s0 =	smul.u32 $0x9C400, s0  }
0xc: {  	s21 =	simm.s32 $0xF0;
	s2 =	ssub.s32 s9, s22;
	s13 =	sadd.s32 s10, s8  }
0xd: {  	s22 =	simm.s32 $0x2940;
	s7 =	sshrl.u32 s7, $0x3;
	s0 =	sshrl.u32 s0, $0x3  }
0xe: {  	s14 =	sadd.s32 $0x50, s13;
	s10 =	smax.u32 s2, $0x1;
	s2 =	sadd.s32 $0xA0, s13  }
0xf: {  	s23 =	sadd.s32 s3, s7;
	s7 =	sadd.s32 s5, s7;
	s0 =	sadd.s32 $0x13600, s0  }
0x10: {  	s15 =	sshll.u32 s14, $0x3;
	s30 =	sshrl.u32 s14, $0x3;
	[dreg:$0x6] =	wrdreg s23  }
0x11: {  	[dreg:$0x7] =	wrdreg s7;
	s24 =	sadd.s32 s11, s0;
	s9 =	sadd.s32 s12, s0  }
0x12: {  	s25 =	sadd.s32 s15, s11;
	s26 =	sadd.s32 s15, s12;
	s0 =	sadd.s32 s30, s5  }
0x13: {  	s13 =	sadd.s32 s30, s3;
	s12 =	sadd.s32 s31, s12;
	[dreg:$0x8] =	wrdreg s24  }
0x14: {  	s11 =	sadd.s32 s31, s11;
	s23 =	simm.s32 $0x3D40;
	[dreg:$0x4] =	wrdreg s25  }
0x15: {  	[dreg:$0x5] =	wrdreg s26;
	s14 =	sadd.s32 s6, s12;
	s15 =	sadd.s32 s6, s11  }
0x16: {  	s24 =	simm.s32 $0x1;
	s25 =	simm.s32 $0x2;
	s26 =	simm.s32 $0x3  }
.LBB2_1:
0x17: {  	s6 =	rddreg [dreg:$0x6]  }
0x18: {  	[tilespmem:s4], [sflag:$0x5] =	stream.linear.gather [hbm4b:s6+s4], $0x50, $0x38;
	[tilespmem:$0x5140] =	vst v63  }
0x19: {  	_ =	swait.ge [sflag:s16], $0x50  }
0x1a: {  	[sflag:s16] =	ssyncset.done $0x0  }
0x1b: {  	s11 =	rddreg [dreg:$0x7];
	[sflag:s16] =	ssyncadd.s32 $0xFFFFFFB0  }
0x1c: {  	[tilespmem:s17], [sflag:$0x5] =	stream.linear.gather [hbm4b:s11+s4], $0x50, $0x38;
	[tilespmem:$0x5140] =	vst v63  }
0x1d: {  	_ =	swait.ge [sflag:s16], $0x50  }
0x1e: {  	[sflag:s16] =	ssyncset.done $0x0  }
0x1f: {  	[sflag:s16] =	ssyncadd.s32 $0xFFFFFFB0  }
0x20: {  	[tilespmem:s18], [sflag:$0x1] =	stream.indirect.gather [hbm4b:s1+s17], $0x40, s4, s17, $0xb8;
	[tilespmem:$0x5140] =	vst v63  }
0x21: {  	_ = 	snop  }
0x22: {  	[tilespmem:s19], [sflag:$0x2] =	stream.indirect.gather [hbm4b:s1+s17], $0x40, s17, s17, $0xb8;
	[tilespmem:$0x5140] =	vst v63  }
0x23: {  	_ = 	snop  }
0x24: {  	[tilespmem:s20], [sflag:$0x5] =	stream.linear.gather [hbm4b:s13+s4], $0x50, $0x38;
	[tilespmem:$0x5140] =	vst v63  }
0x25: {  	_ =	swait.ge [sflag:s16], $0x50  }
0x26: {  	[sflag:s16] =	ssyncset.done $0x0  }
0x27: {  	[sflag:s16] =	ssyncadd.s32 $0xFFFFFFB0  }
0x28: {  	[tilespmem:s21], [sflag:$0x5] =	stream.linear.gather [hbm4b:s0+s4], $0x50, $0x38;
	[tilespmem:$0x5140] =	vst v63  }
0x29: {  	_ =	swait.ge [sflag:s16], $0x50  }
0x2a: {  	[sflag:s16] =	ssyncset.done $0x0  }
0x2b: {  	[sflag:s16] =	ssyncadd.s32 $0xFFFFFFB0  }
0x2c: {  	[tilespmem:s22], [sflag:$0x3] =	stream.indirect.gather [hbm4b:s1+s17], $0x40, s20, s17, $0xb8;
	[tilespmem:$0x5140] =	vst v63  }
0x2d: {  	_ = 	snop  }
0x2e: {  	[tilespmem:s23], [sflag:$0x4] =	stream.indirect.gather [hbm4b:s1+s17], $0x40, s21, s17, $0xb8;
	[tilespmem:$0x5140] =	vst v63  }
0x2f: {  	_ =	swait.ge [sflag:s24], $0x1400  }
0x30: {  	[sflag:s24] =	ssyncset.done $0x0  }
0x31: {  	[sflag:s24] =	ssyncadd.s32 $0xFFFFEC00  }
0x32: {  	_ =	swait.ge [sflag:s25], $0x1400  }
0x33: {  	[sflag:s25] =	ssyncset.done $0x0  }
0x34: {  	s12 =	sadd.s32 $0x0, s15;
	[sflag:s25] =	ssyncadd.s32 $0xFFFFEC00  }
0x35: {  	[hbm4b:s12+s4] =	stream.linear.scatter [tilespmem:s18], [sflag:$0x5], $0x1400, $0x38;
	[tilespmem:$0x5140] =	vst v63  }
0x36: {  	_ =	swait.ge [sflag:s16], $0x1400  }
0x37: {  	[sflag:s16] =	ssyncset.done $0x0  }
0x38: {  	s7 =	sadd.s32 $0x0, s14;
	[sflag:s16] =	ssyncadd.s32 $0xFFFFEC00  }
0x39: {  	[hbm4b:s7+s4] =	stream.linear.scatter [tilespmem:s19], [sflag:$0x5], $0x1400, $0x38;
	[tilespmem:$0x5140] =	vst v63  }
0x3a: {  	_ =	swait.ge [sflag:s16], $0x1400  }
0x3b: {  	s8 =	sshrl.u32 s2, $0x3;
	[sflag:s16] =	ssyncset.done $0x0  }
0x3c: {  	s11 =	sadd.s32 s3, s8;
	[sflag:s16] =	ssyncadd.s32 $0xFFFFEC00  }
0x3d: {  	[tilespmem:s4], [sflag:$0x5] =	stream.linear.gather [hbm4b:s11+s4], $0x50, $0x38;
	[tilespmem:$0x5140] =	vst v63  }
0x3e: {  	_ =	swait.ge [sflag:s16], $0x50  }
0x3f: {  	[sflag:s16] =	ssyncset.done $0x0  }
0x40: {  	s6 =	sadd.s32 s5, s8;
	[sflag:s16] =	ssyncadd.s32 $0xFFFFFFB0  }
0x41: {  	[tilespmem:s17], [sflag:$0x5] =	stream.linear.gather [hbm4b:s6+s4], $0x50, $0x38;
	[tilespmem:$0x5140] =	vst v63  }
0x42: {  	_ =	swait.ge [sflag:s16], $0x50  }
0x43: {  	[sflag:s16] =	ssyncset.done $0x0  }
0x44: {  	[sflag:s16] =	ssyncadd.s32 $0xFFFFFFB0  }
0x45: {  	[tilespmem:s18], [sflag:$0x1] =	stream.indirect.gather [hbm4b:s1+s17], $0x40, s4, s17, $0xb8;
	[tilespmem:$0x5140] =	vst v63  }
0x46: {  	_ = 	snop  }
0x47: {  	[tilespmem:s19], [sflag:$0x2] =	stream.indirect.gather [hbm4b:s1+s17], $0x40, s17, s17, $0xb8;
	[tilespmem:$0x5140] =	vst v63  }
0x48: {  	_ =	swait.ge [sflag:s26], $0x1400  }
0x49: {  	[sflag:s26] =	ssyncset.done $0x0  }
0x4a: {  	[sflag:s26] =	ssyncadd.s32 $0xFFFFEC00  }
0x4b: {  	_ =	swait.ge [sflag:s28], $0x1400  }
0x4c: {  	s11 =	rddreg [dreg:$0x4];
	[sflag:s28] =	ssyncset.done $0x0  }
0x4d: {  	[sflag:s28] =	ssyncadd.s32 $0xFFFFEC00;
	s6 =	sadd.s32 $0x0, s11  }
0x4e: {  	[hbm4b:s6+s4] =	stream.linear.scatter [tilespmem:s22], [sflag:$0x5], $0x1400, $0x38;
	[tilespmem:$0x5140] =	vst v63  }
0x4f: {  	_ =	swait.ge [sflag:s16], $0x1400  }
0x50: {  	s12 =	rddreg [dreg:$0x5];
	[sflag:s16] =	ssyncset.done $0x0  }
0x51: {  	[sflag:s16] =	ssyncadd.s32 $0xFFFFEC00;
	s6 =	sadd.s32 $0x0, s12  }
0x52: {  	[hbm4b:s6+s4] =	stream.linear.scatter [tilespmem:s23], [sflag:$0x5], $0x1400, $0x38;
	[tilespmem:$0x5140] =	vst v63  }
0x53: {  	s30 =	simm.s32 $0x500;
	s31 =	sadd.s32 $0x14, s13;
	_ =	swait.ge [sflag:s16], $0x1400  }
0x54: {  	s11 =	smov.u32 s2;
	s12 =	smov.u32 s0;
	[sflag:s16] =	ssyncset.done $0x0  }
.LBB2_2:
0x55: {  	[sflag:s16] =	ssyncadd.s32 $0xFFFFEC00  }
0x56: {  	[tilespmem:s20], [sflag:$0x5] =	stream.linear.gather [hbm4b:s31+s4], $0x50, $0x38;
	[tilespmem:$0x5140] =	vst v63  }
0x57: {  	_ =	swait.ge [sflag:s16], $0x50  }
0x58: {  	[sflag:s16] =	ssyncset.done $0x0  }
0x59: {  	s12 =	sadd.s32 $0x14, s12;
	[sflag:s16] =	ssyncadd.s32 $0xFFFFFFB0  }
0x5a: {  	[tilespmem:s21], [sflag:$0x5] =	stream.linear.gather [hbm4b:s12+s4], $0x50, $0x38;
	[tilespmem:$0x5140] =	vst v63  }
0x5b: {  	_ =	swait.ge [sflag:s16], $0x50  }
0x5c: {  	[sflag:s16] =	ssyncset.done $0x0  }
0x5d: {  	[sflag:s16] =	ssyncadd.s32 $0xFFFFFFB0  }
0x5e: {  	[tilespmem:s22], [sflag:$0x3] =	stream.indirect.gather [hbm4b:s1+s17], $0x40, s20, s17, $0xb8;
	[tilespmem:$0x5140] =	vst v63  }
0x5f: {  	_ = 	snop  }
0x60: {  	[tilespmem:s23], [sflag:$0x4] =	stream.indirect.gather [hbm4b:s1+s17], $0x40, s21, s17, $0xb8;
	[tilespmem:$0x5140] =	vst v63  }
0x61: {  	_ =	swait.ge [sflag:s24], $0x1400  }
0x62: {  	[sflag:s24] =	ssyncset.done $0x0  }
0x63: {  	[sflag:s24] =	ssyncadd.s32 $0xFFFFEC00  }
0x64: {  	_ =	swait.ge [sflag:s25], $0x1400  }
0x65: {  	s6 =	smov.u32 s30;
	[sflag:s25] =	ssyncset.done $0x0  }
0x66: {  	s7 =	sadd.s32 s6, s15;
	[sflag:s25] =	ssyncadd.s32 $0xFFFFEC00  }
0x67: {  	[hbm4b:s7+s4] =	stream.linear.scatter [tilespmem:s18], [sflag:$0x5], $0x1400, $0x38;
	[tilespmem:$0x5140] =	vst v63  }
0x68: {  	_ =	swait.ge [sflag:s16], $0x1400  }
0x69: {  	[sflag:s16] =	ssyncset.done $0x0  }
0x6a: {  	s8 =	sadd.s32 s6, s14;
	[sflag:s16] =	ssyncadd.s32 $0xFFFFEC00  }
0x6b: {  	[hbm4b:s8+s4] =	stream.linear.scatter [tilespmem:s19], [sflag:$0x5], $0x1400, $0x38;
	[tilespmem:$0x5140] =	vst v63  }
0x6c: {  	s11 =	sadd.s32 $0xA0, s11;
	_ =	swait.ge [sflag:s16], $0x1400  }
0x6d: {  	s7 =	sshrl.u32 s11, $0x3;
	[sflag:s16] =	ssyncset.done $0x0  }
0x6e: {  	s8 =	sadd.s32 s3, s7;
	[sflag:s16] =	ssyncadd.s32 $0xFFFFEC00  }
0x6f: {  	[tilespmem:s4], [sflag:$0x5] =	stream.linear.gather [hbm4b:s8+s4], $0x50, $0x38;
	[tilespmem:$0x5140] =	vst v63  }
0x70: {  	_ =	swait.ge [sflag:s16], $0x50  }
0x71: {  	[sflag:s16] =	ssyncset.done $0x0  }
0x72: {  	s7 =	sadd.s32 s5, s7;
	[sflag:s16] =	ssyncadd.s32 $0xFFFFFFB0  }
0x73: {  	[tilespmem:s17], [sflag:$0x5] =	stream.linear.gather [hbm4b:s7+s4], $0x50, $0x38;
	[tilespmem:$0x5140] =	vst v63  }
0x74: {  	_ =	swait.ge [sflag:s16], $0x50  }
0x75: {  	[sflag:s16] =	ssyncset.done $0x0  }
0x76: {  	[sflag:s16] =	ssyncadd.s32 $0xFFFFFFB0  }
0x77: {  	[tilespmem:s18], [sflag:$0x1] =	stream.indirect.gather [hbm4b:s1+s17], $0x40, s4, s17, $0xb8;
	[tilespmem:$0x5140] =	vst v63  }
0x78: {  	_ = 	snop  }
0x79: {  	[tilespmem:s19], [sflag:$0x2] =	stream.indirect.gather [hbm4b:s1+s17], $0x40, s17, s17, $0xb8;
	[tilespmem:$0x5140] =	vst v63  }
0x7a: {  	_ =	swait.ge [sflag:s26], $0x1400  }
0x7b: {  	[sflag:s26] =	ssyncset.done $0x0  }
0x7c: {  	[sflag:s26] =	ssyncadd.s32 $0xFFFFEC00  }
0x7d: {  	_ =	swait.ge [sflag:s28], $0x1400  }
0x7e: {  	s8 =	rddreg [dreg:$0x4];
	[sflag:s28] =	ssyncset.done $0x0  }
0x7f: {  	[sflag:s28] =	ssyncadd.s32 $0xFFFFEC00;
	s7 =	sadd.s32 s6, s8  }
0x80: {  	[hbm4b:s7+s4] =	stream.linear.scatter [tilespmem:s22], [sflag:$0x5], $0x1400, $0x38;
	[tilespmem:$0x5140] =	vst v63  }
0x81: {  	p0 =	sne.s32 s30, $0x13100;
	_ =	swait.ge [sflag:s16], $0x1400  }
.Ltmp0:
0x82: {  	s8 =	rddreg [dreg:$0x5];
	[sflag:s16] =	ssyncset.done $0x0;
	(pc) =	sbr.rel @p0 .LBB2_2-.Ltmp0, $4  }
0x83: {  	[sflag:s16] =	ssyncadd.s32 $0xFFFFEC00;
	s6 =	sadd.s32 s6, s8  }
0x84: {  	[hbm4b:s6+s4] =	stream.linear.scatter [tilespmem:s23], [sflag:$0x5], $0x1400, $0x38;
	[tilespmem:$0x5140] =	vst v63  }
0x85: {  	_ =	swait.ge [sflag:s16], $0x1400  }
0x86: {  	s30 =	sadd.s32 $0x500, s30;
	s31 =	sadd.s32 $0x14, s31;
	[sflag:s16] =	ssyncset.done $0x0  }
0x87: {  	[sflag:s16] =	ssyncadd.s32 $0xFFFFEC00  }
0x88: {  	_ =	swait.ge [sflag:s24], $0x1400  }
0x89: {  	[sflag:s24] =	ssyncset.done $0x0  }
0x8a: {  	[sflag:s24] =	ssyncadd.s32 $0xFFFFEC00  }
0x8b: {  	_ =	swait.ge [sflag:s25], $0x1400  }
0x8c: {  	[sflag:s25] =	ssyncset.done $0x0  }
0x8d: {  	s6 =	rddreg [dreg:$0x8];
	[sflag:s25] =	ssyncadd.s32 $0xFFFFEC00  }
0x8e: {  	[hbm4b:s6+s4] =	stream.linear.scatter [tilespmem:s18], [sflag:$0x5], $0x1400, $0x38;
	[tilespmem:$0x5140] =	vst v63  }
0x8f: {  	s29 =	sadd.s32 $0x1, s29;
	_ =	swait.ge [sflag:s16], $0x1400  }
0x90: {  	p0 =	sne.s32 s29, s10;
	[sflag:s16] =	ssyncset.done $0x0  }
.Ltmp1:
0x91: {  	[sflag:s16] =	ssyncadd.s32 $0xFFFFEC00;
	(pc) =	sbr.rel @p0 .LBB2_1-.Ltmp1, $4  }
0x92: {  	[hbm4b:s9+s4] =	stream.linear.scatter [tilespmem:s19], [sflag:$0x5], $0x1400, $0x38;
	[tilespmem:$0x5140] =	vst v63  }
0x93: {  	_ =	swait.ge [sflag:s16], $0x1400  }
0x94: {  	[sflag:s16] =	ssyncset.done $0x0  }
0x95: {  	[sflag:s16] =	ssyncadd.s32 $0xFFFFEC00  }
0x96: {  	_ =	sfence.sel $0x180000  }
0x97: {  	[bflag:$0x0] =	sbarrier.arrive $0xFFFF  }
0x98: {  	_ =	strace $0x90000047  }
0x99: {  	s0 =	stileid.u32;
	[bflag:$0x2] =	sbarrier.arrive $0xFFFF  }
0x9a: {  	p0 =	sne.s32 s0, $0x0;
	s0 =	rddreg [dreg:$0x3]  }
0x9b: {  	s0 =	sadd.s32 @!p0 $0x100000, s0  }
0x9c: {  	[sflag:s0] =	ssyncadd.tile.s32 @!p0 $0x1;
	_ =	shalt  }
.Lfunc_end2:
_tile_overlayer_lowered:
.L_overlay_start_2:
0x9d: {  	(tag) =	ssettag $0x2  }
0x9e: {  	s0 =	rddreg [dreg:$0x0];
	s2 =	stileid.u32  }
0x9f: {  	s1 =	rddreg [dreg:$0x1];
	p0 =	sne.s32 s2, $0x0  }
0xa0: {  	s3 =	rddreg [dreg:$0x2];
	[bflag:$0x3] =	sbarrier.arrive $0xFFFF;
	s2 =	simm.s32 @!p0 $0x1C05  }
0xa1: {  	[timem:s3], [sflag:s2] =	dma.local @!p0 [hbm:s0], s1  }
0xa2: {  	s0 =	simm.s32 @!p0 $0x5  }
0xa3: {  	_ =	swait.ge @!p0 [sflag:s0], s1  }
0xa4: {  	s1 =	ssub.s32 @!p0 $0x0, s1;
	[sflag:s0] =	ssyncset.done @!p0 $0x0  }
0xa5: {  	[sflag:s0] =	ssyncadd.s32 @!p0 s1  }
0xa6: {  	[bflag:$0x3] =	sbarrier.arrive $0xFFFF  }
0xa7: {  	_ =	shalt  }

// kernel: kernel.9.cloned.1.call-start
scs
__scs_entry_jumppad:
0x0: {  	(pc) =	sbr.rel $0x88, $3  }
0x1: {  	(tag) =	ssettag $0x0;
	lr =	simm.s32 $0x1  }
0x2: {  	[smem:$0x3F8D] =	sst lr;
	_ =	strace $0xD0000000  }
0x3: {  	_ = 	snop  }
0x4: {  	_ = 	snop  }
0x5: {  	_ = 	snop  }
0x6: {  	_ = 	snop  }
0x7: {  	_ = 	snop  }
__scs_overlays_trampoline_lowered:
0x8: {  	[smem:$0x3F9C] =	sst s0  }
0x9: {  	[smem:$0x3F9D] =	sst s1  }
0xa: {  	[smem:$0x3F9E] =	sst s2  }
0xb: {  	[smem:$0x3F9F] =	sst s3  }
0xc: {  	[smem:$0x3FA0] =	sst s4  }
0xd: {  	[smem:$0x3FA1] =	sst s5  }
0xe: {  	[smem:$0x3FA2] =	sst s6  }
0xf: {  	[smem:$0x3FA3] =	sst s7  }
0x10: {  	[smem:$0x3FA4] =	sst s8  }
0x11: {  	[smem:$0x3FA5] =	sst s9;
	s0 =	simm.s32 @!p0 $0x0  }
0x12: {  	s1 =	sld [smem:$0x3F8B];
	s0 =	simm.s32 @p0 $0x1  }
0x13: {  	[smem:$0x3FA6] =	sst s0;
	s0 =	simm.s32 @!p1 $0x0  }
0x14: {  	s2 =	sld [smem:$0x3F8A];
	s0 =	simm.s32 @p1 $0x1  }
0x15: {  	[smem:$0x3FA7] =	sst s0;
	s0 =	simm.s32 @!p2 $0x0  }
0x16: {  	s3 =	sld [smem:$0x3FDB];
	s0 =	simm.s32 @p2 $0x1  }
0x17: {  	s4 =	simm.s32 $0x1BF5;
	[smem:$0x3FA9] =	sst s0  }
0x18: {  	s0 =	sld [smem:$0x3F8C];
	_ =	swait.ge [sflag:s4], $0x0  }
0x19: {  	s7 =	sld [smem:$0x3F8D]  }
0x1a: {  	s8 =	sadd.s32 $0xFFFFE003, lr  }
0x1b: {  	s9 =	sadd.s32 $0xFFFFFEF7, lr;
	s5 =	simm.s32 $0xFFFFFFFF;
	p2 =	slt.u32 s8, $0xFFFFF086  }
0x1c: {  	p1 =	slt.u32 s9, $0xF7A;
	s5 =	simm.s32 @!p2 $0x0  }
0x1d: {  	s5 =	simm.s32 @p1 $0x1;
	p0 =	seq.s32 s7, s2  }
0x1e: {  	s7 =	smul.u32 @!p0 $0xF7A, s2;
	p2 =	seq.s32 @!p0 s5, $0x0  }
0x1f: {  	s9 =	smul.u32 $0xF7A, s1;
	s8 =	simm.s32 @!p0 $0x1BF5;
	p2 =	por !p2, p0  }
0x20: {  	[sflag:s8] =	ssyncset.s32 @!p0 $0xFFFFF086;
	s6 =	sadd.s32 @!p0 s3, s7;
	s7 =	simm.s32 @!p0 $0x108  }
0x21: {  	s3 =	sadd.s32 s3, s9;
	s6 =	sadd.s32 @!p0 $0x88, s6;
	s7 =	simm.s32 @p2 $0x1082  }
0x22: {  	[simem:s7], [sflag:s8] =	dma.local @!p0 [hbm:s6], $0xF7A  }
0x23: {  	s9 =	sor.u32 $0xD0000000, s2;
	s6 =	simm.s32 $0x108;
	_ =	swait.ge @!p0 [sflag:s8], $0x0  }
0x24: {  	s3 =	sadd.s32 $0x88, s3;
	s6 =	simm.s32 @!p1 $0x1082;
	[sflag:s4] =	ssyncset.s32 $0xFFFFF086  }
0x25: {  	[simem:s6], [sflag:s4] =	dma.local [hbm:s3], $0xF7A  }
0x26: {  	[smem:$0x3F8D] =	sst s1;
	(tag) =	ssettag s2;
	_ =	strace s9  }
0x27: {  	s1 =	sld [smem:$0x3F9D]  }
0x28: {  	s2 =	sld [smem:$0x3F9E]  }
0x29: {  	s4 =	sld [smem:$0x3FA0]  }
0x2a: {  	p0 =	seq.s32 s5, $0x0;
	s5 =	sld [smem:$0x3FA1]  }
0x2b: {  	s6 =	sld [smem:$0x3FA2]  }
0x2c: {  	s7 =	sld [smem:$0x3FA3]  }
0x2d: {  	s3 =	simm.s32 $0x108;
	s8 =	sld [smem:$0x3FA4]  }
0x2e: {  	s3 =	simm.s32 @!p0 $0x1082;
	s9 =	sld [smem:$0x3FA5]  }
0x2f: {  	lr =	sadd.s32 s0, s3;
	s0 =	sld [smem:$0x3F9C]  }
0x30: {  	s3 =	sld [smem:$0x3F9F]  }
0x31: {  	[smem:$0x3FA8] =	sst s10  }
0x32: {  	s10 =	sld [smem:$0x3FA6];
	_ =	sdelay $0x3  }
0x33: {  	p0 =	seq.s32 s10, $0x1;
	s10 =	sld [smem:$0x3FA8];
	_ =	sdelay $0x3  }
0x34: {  	[smem:$0x3FA8] =	sst s10  }
0x35: {  	s10 =	sld [smem:$0x3FA7];
	_ =	sdelay $0x3  }
0x36: {  	p1 =	seq.s32 s10, $0x1;
	s10 =	sld [smem:$0x3FA8];
	_ =	sdelay $0x3  }
0x37: {  	[smem:$0x3FA8] =	sst s10  }
0x38: {  	s10 =	sld [smem:$0x3FA9]  }
0x39: {  	_ = 	snop;
	(pc) =	sbr.ind lr, $3  }
0x3a: {  	_ = 	snop  }
0x3b: {  	_ = 	snop  }
0x3c: {  	p2 =	seq.s32 s10, $0x1;
	s10 =	sld [smem:$0x3FA8]  }
0x3d: {  	_ =	shalt  }
0x3e: {  	_ =	shalt  }
0x3f: {  	_ =	shalt  }
0x40: {  	_ =	shalt  }
0x41: {  	_ =	shalt  }
0x42: {  	_ =	shalt  }
0x43: {  	_ =	shalt  }
0x44: {  	_ =	shalt  }
0x45: {  	_ =	shalt  }
0x46: {  	_ =	shalt  }
0x47: {  	_ =	shalt  }
0x48: {  	_ =	shalt  }
0x49: {  	_ =	shalt  }
0x4a: {  	_ =	shalt  }
0x4b: {  	_ =	shalt  }
0x4c: {  	_ =	shalt  }
0x4d: {  	_ =	shalt  }
0x4e: {  	_ =	shalt  }
0x4f: {  	_ =	shalt  }
0x50: {  	_ =	shalt  }
0x51: {  	_ =	shalt  }
0x52: {  	_ =	shalt  }
0x53: {  	_ =	shalt  }
0x54: {  	_ =	shalt  }
0x55: {  	_ =	shalt  }
0x56: {  	_ =	shalt  }
0x57: {  	_ =	shalt  }
0x58: {  	_ =	shalt  }
0x59: {  	_ =	shalt  }
0x5a: {  	_ =	shalt  }
0x5b: {  	_ =	shalt  }
0x5c: {  	_ =	shalt  }
0x5d: {  	_ =	shalt  }
0x5e: {  	_ =	shalt  }
0x5f: {  	_ =	shalt  }
0x60: {  	_ =	shalt  }
0x61: {  	_ =	shalt  }
0x62: {  	_ =	shalt  }
0x63: {  	_ =	shalt  }
0x64: {  	_ =	shalt  }
0x65: {  	_ =	shalt  }
0x66: {  	_ =	shalt  }
0x67: {  	_ =	shalt  }
0x68: {  	_ =	shalt  }
0x69: {  	_ =	shalt  }
0x6a: {  	_ =	shalt  }
0x6b: {  	_ =	shalt  }
0x6c: {  	_ =	shalt  }
0x6d: {  	_ =	shalt  }
0x6e: {  	_ =	shalt  }
0x6f: {  	_ =	shalt  }
0x70: {  	_ =	shalt  }
0x71: {  	_ =	shalt  }
0x72: {  	_ =	shalt  }
0x73: {  	_ =	shalt  }
0x74: {  	_ =	shalt  }
0x75: {  	_ =	shalt  }
0x76: {  	_ =	shalt  }
0x77: {  	_ =	shalt  }
0x78: {  	_ =	shalt  }
0x79: {  	_ =	shalt  }
0x7a: {  	_ =	shalt  }
0x7b: {  	_ =	shalt  }
0x7c: {  	_ =	shalt  }
0x7d: {  	_ =	shalt  }
0x7e: {  	_ =	shalt  }
0x7f: {  	_ =	shalt  }
0x80: {  	_ =	shalt  }
0x81: {  	_ =	shalt  }
0x82: {  	_ =	shalt  }
0x83: {  	_ =	shalt  }
0x84: {  	_ =	shalt  }
0x85: {  	_ =	shalt  }
0x86: {  	_ =	shalt  }
0x87: {  	_ =	shalt  }
.Lfunc_end0:
.L_simem_size_0:
called_computation.5_lowered:
.L_overlay_start_0:
0x88: {  	s2 =	sld [smem:$0x3FD9]  }
0x89: {  	s3 =	sld [smem:$0x3FFE];
	_ =	sdelay $0x1  }
0x8a: {  	s1 =	srdreg.scid  }
0x8b: {  	s0 =	sand.u32 $0x1, s1  }
0x8c: {  	s16 =	sshll.u32 s0, $0xA;
	s2 =	sadd.s32 s3, s2  }
0x8d: {  	s2 =	sadd.s32 s2, s16  }
0x8e: {  	[smem:$0x3FB4] =	sst s2  }
0x8f: {  	_ = 	snop  }
0x90: {  	(tm) =	ssettm $0x1  }
0x91: {  	s17 =	sld [smem:$0x3FFB];
	_ =	sdelay $0x3  }
0x92: {  	_ =	strace s17  }
0x93: {  	s2 =	sld [smem:$0x3FFC];
	_ =	sdelay $0x3  }
0x94: {  	_ =	strace s2  }
0x95: {  	s2 =	sld [smem:$0x3FFD];
	_ =	sdelay $0x3  }
0x96: {  	_ =	strace s2  }
0x97: {  	_ =	strace $0x8FFFFFFF  }
0x98: {  	s18 =	sld [smem:$0x3FDB];
	_ =	sdelay $0x1  }
0x99: {  	s19 =	simm.s32 $_scs_section_size  }
0x9a: {  	s4 =	simm.s32 $_size__tile_overlayer_lowered;
	s5 =	simm.s32 $_tile_overlayer_lowered  }
0x9b: {  	s22 =	simm.s32 $0x1BFF;
	s21 =	sshll.u32 s5, $0x1;
	s2 =	sadd.s32 s19, s18  }
0x9c: {  	s6 =	simm.s32 $0x0;
	s20 =	sshll.u32 s4, $0x1;
	s4 =	sadd.s32 s21, s2  }
0x9d: {  	[timem:s6], [sflag:s22] =	dma.local [hbm:s4], s20  }
0x9e: {  	_ =	swait.ge [sflag:s22], s20  }
0x9f: {  	s3 =	ssub.s32 $0x0, s20;
	[sflag:s22] =	ssyncset.done $0x0  }
0xa0: {  	[sflag:s22] =	ssyncadd.s32 s3;
	_ =	sdelay $0x1  }
0xa1: {  	s23 =	simm.s32 $0x1B8B  }
0xa2: {  	_ =	swait.ge [sflag:s23], $0x1  }
0xa3: {  	[sflag:s23] =	ssyncset.done $0x0  }
0xa4: {  	s25 =	simm.s32 $0x1B8E;
	s24 =	sld [smem:$0x3FFE];
	[sflag:s23] =	ssyncadd.s32 $0xFFFFFFFF  }
0xa5: {  	s26 =	simm.s32 $execute0_lowered;
	[smem:$0x3FD2] =	sst s25  }
0xa6: {  	s4 =	sshll.u32 s26, $0x1;
	_ =	strace $0x80000055;
	[dreg:$0x1] =	wrdreg $0xFFFFFFFF  }
0xa7: {  	s28 =	simm.s32 $_size_execute0_lowered;
	s2 =	sadd.s32 s2, s4;
	[dreg:$0x0] =	wrdreg $0x0  }
0xa8: {  	s4 =	sshll.u32 s28, $0x1;
	[dreg:$0x2] =	wrdreg s2  }
0xa9: {  	[dreg:$0x3] =	wrdreg s4  }
0xaa: {  	[dreg:$0x4] =	wrdreg $0xC0  }
0xab: {  	_ =	task [dreg:s6], $0x5FFFF  }
0xac: {  	[dreg:$0x1] =	wrdreg $0xFFFFFFFF  }
0xad: {  	[dreg:$0x0] =	wrdreg $0x60  }
0xae: {  	[dreg:$0x2] =	wrdreg s24  }
0xaf: {  	[dreg:$0x3] =	wrdreg $0x51000  }
0xb0: {  	[dreg:$0x4] =	wrdreg $0x9  }
0xb1: {  	_ =	task.clear_ibuf [dreg:s6], $0x5FFFF;
	_ =	strace $0x90000055  }
0xb2: {  	s29 =	simm.s32 $0x9;
	_ =	strace $0x80000057  }
0xb3: {  	_ =	swait.ge [sflag:s29], $0x1  }
0xb4: {  	[sflag:s29] =	ssyncadd.s32 $0xFFFFFFFF  }
0xb5: {  	_ =	strace $0x90000057  }
0xb6: {  	_ =	sfence  }
0xb7: {  	s30 =	sld [smem:$0x0];
	_ =	sdelay $0x2  }
0xb8: {  	s31 =	sshll.u32 s1, $0xD;
	s1 =	sshrl.u32 s1, $0x2  }
0xb9: {  	s3 =	sand.u32 $0x4000, s31;
	s1 =	sadd.s32 s1, s30  }
0xba: {  	s0 =	sor.u32 s3, s0;
	s1 =	sshll.u32 s1, $0x11  }
0xbb: {  	s0 =	sor.u32 s1, s0  }
0xbc: {  	s0 =	sadd.s32 $0x8F2B, s0  }
0xbd: {  	[sflag:s0] =	ssyncadd.remote.s32 $0x1  }
0xbe: {  	_ =	sfence.sel $0xFFFF  }
0xbf: {  	[dreg:$0x0] =	wrdreg $0xFFFFFFFF;
	(pc) =	sbr.abs _section_cstart, $3  }
0xc0: {  	[dreg:$0x1] =	wrdreg $0xFFFFFFFF  }
0xc1: {  	_ =	task.clear_ibuf [dreg:s6], $0x2FFFF;
	_ =	strace $0x9FFFFFFF  }
0xc2: {  	(tm) =	ssettm $0x7FFFFFFF  }
0xc3: {  	_ =	shalt  }
tec
execute0_lowered:
.L_overlay_start_1:
0x0: {  	(tag) =	ssettag $0x1  }
0x1: {  	s5 =	rddreg [dreg:$0x0]  }
0x2: {  	s2 =	rddreg [dreg:$0x1]  }
0x3: {  	s0 =	rddreg [dreg:$0x2]  }
0x4: {  	s3 =	simm.s32 $0x0;
	s1 =	stileid.u32;
	s4 =	srdreg.scid  }
0x5: {  	s16 =	simm.s32 $0x80;
	s17 =	simm.s32 $0x2900;
	s23 =	smul.u32 $0x2800, s1  }
0x6: {  	s18 =	simm.s32 $0x1;
	s19 =	simm.s32 $0x2;
	s10 =	smul.u32 $0x50000, s1  }
0x7: {  	s20 =	simm.s32 $0x50;
	[smem:$0x7FF] =	sst s3;
	s13 =	smul.u32 $0x2710, s1  }
0x8: {  	s7 =	sand.u32 $0x1, s4;
	s9 =	sadd.s32 $0x4EF600, s5;
	s29 =	smul.u32 $0x27100, s1  }
0x9: {  	s4 =	sadd.s32 $0x3800, s5;
	s24 =	sshll.u32 s1, $0x6;
	s6 =	smul.u32 $0x28000, s7  }
0xa: {  	_ =	strace $0x80000056;
	s21 =	ssub.s32 $0x2, s7;
	s12 =	smul.u32 $0x27100, s7  }
0xb: {  	s28 =	smul.u32 $0x271000, s7;
	s8 =	sadd.s32 s23, s5;
	s22 =	sshrl.u32 s21, $0x1  }
0xc: {  	s10 =	sshrl.u32 s10, $0x2;
	s11 =	sadd.s32 s6, s5;
	s14 =	ssub.s32 s21, s22  }
0xd: {  	s15 =	sadd.s32 s10, s2;
	s5 =	sadd.s32 $0xD600, s8;
	s6 =	sor.u32 $0x1C05, s24  }
0xe: {  	s12 =	sadd.s32 s13, s12;
	s30 =	sadd.s32 s28, s9;
	s21 =	simm.s32 $0x3  }
0xf: {  	s22 =	simm.s32 $0x4;
	s25 =	sshrl.u32 s12, $0x3;
	s26 =	sshll.u32 s12, $0x4  }
0x10: {  	s24 =	sadd.s32 $0x35600, s11;
	s31 =	sadd.s32 $0x50, s12;
	s10 =	sadd.s32 s29, s30  }
0x11: {  	s11 =	sadd.s32 $0xA0, s12;
	s7 =	sadd.s32 s4, s25;
	s8 =	sadd.s32 s9, s26  }
0x12: {  	s9 =	smax.u32 s14, $0x1;
	s13 =	sshrl.u32 s31, $0x3;
	s10 =	sadd.s32 $0xA00, s10  }
0x13: {  	s14 =	simm.s32 $0x5;
	s23 =	sadd.s32 s23, s24;
	s24 =	simm.s32 $0x0  }
0x14: {  	s12 =	sadd.s32 s13, s4;
	s13 =	sshrl.u32 s15, $0x3;
	s15 =	simm.s32 $0x100  }
.LBB2_1:
0x15: {  	[spmem:s13], [sflag:s6] =	dma.local [hbm:s5], $0x2800  }
0x16: {  	_ =	swait.ge [sflag:s14], $0x2800  }
0x17: {  	[sflag:s14] =	ssyncset.done $0x0  }
0x18: {  	[sflag:s14] =	ssyncadd.s32 $0xFFFFD800  }
0x19: {  	[bflag:$0x0] =	sbarrier.arrive $0xFFFF  }
0x1a: {  	[tilespmem:s3], [sflag:$0x1] =	stream.linear.gather [hbm4b:s7+s3], $0x50, $0x38;
	[tilespmem:$0x19100] =	vst v63  }
0x1b: {  	_ = 	snop  }
0x1c: {  	[tilespmem:s15], [sflag:$0x2] =	stream.linear.gather [hbm4b:s8+s3], $0x2800, $0x38;
	[tilespmem:$0x19100] =	vst v63  }
0x1d: {  	s25 =	sadd.s32 $0x0, s12  }
0x1e: {  	[tilespmem:s16], [sflag:$0x3] =	stream.linear.gather [hbm4b:s25+s3], $0x50, $0x38;
	[tilespmem:$0x19100] =	vst v63  }
0x1f: {  	s30 =	sadd.s32 $0xFFFFFB00, s10  }
0x20: {  	[tilespmem:s17], [sflag:$0x4] =	stream.linear.gather [hbm4b:s30+s3], $0x2800, $0x38;
	[tilespmem:$0x19100] =	vst v63  }
0x21: {  	_ =	swait.ge [sflag:s18], $0x50  }
0x22: {  	[sflag:s18] =	ssyncset.done $0x0  }
0x23: {  	[sflag:s18] =	ssyncadd.s32 $0xFFFFFFB0  }
0x24: {  	_ =	swait.ge [sflag:s19], $0x2800  }
0x25: {  	[sflag:s19] =	ssyncset.done $0x0  }
0x26: {  	[sflag:s19] =	ssyncadd.s32 $0xFFFFD800  }
0x27: {  	[spmem:s2] =	stream.indirect.scatter.add.f32 [tilespmem:s15], [sflag:$0x5], $0x80, s3, s20, $0xb8;
	[tilespmem:$0x19100] =	vst v63  }
0x28: {  	_ =	swait.ge [sflag:s14], $0x2800  }
0x29: {  	s31 =	sshrl.u32 s11, $0x3;
	[sflag:s14] =	ssyncset.done $0x0  }
0x2a: {  	s25 =	sadd.s32 s4, s31;
	[sflag:s14] =	ssyncadd.s32 $0xFFFFD800  }
0x2b: {  	[tilespmem:s3], [sflag:$0x1] =	stream.linear.gather [hbm4b:s25+s3], $0x50, $0x38;
	[tilespmem:$0x19100] =	vst v63  }
0x2c: {  	_ = 	snop  }
0x2d: {  	[tilespmem:s15], [sflag:$0x2] =	stream.linear.gather [hbm4b:s10+s3], $0x2800, $0x38;
	[tilespmem:$0x19100] =	vst v63  }
0x2e: {  	_ =	swait.ge [sflag:s21], $0x50  }
0x2f: {  	[sflag:s21] =	ssyncset.done $0x0  }
0x30: {  	[sflag:s21] =	ssyncadd.s32 $0xFFFFFFB0  }
0x31: {  	_ =	swait.ge [sflag:s22], $0x2800  }
0x32: {  	[sflag:s22] =	ssyncset.done $0x0  }
0x33: {  	[sflag:s22] =	ssyncadd.s32 $0xFFFFD800  }
0x34: {  	[spmem:s2] =	stream.indirect.scatter.add.f32 [tilespmem:s17], [sflag:$0x5], $0x80, s16, s20, $0xb8;
	[tilespmem:$0x19100] =	vst v63  }
0x35: {  	s28 =	simm.s32 $0x14;
	s29 =	simm.s32 $0x28;
	_ =	swait.ge [sflag:s14], $0x2800  }
0x36: {  	s26 =	sadd.s32 $0xA0, s11;
	s25 =	sadd.s32 $0xA00, s10;
	[sflag:s14] =	ssyncset.done $0x0  }
.LBB2_2:
0x37: {  	s30 =	sadd.s32 s28, s12  }
0x38: {  	[sflag:s14] =	ssyncadd.s32 $0xFFFFD800;
	s28 =	smov.u32 s29;
	s31 =	sadd.s32 $0x14, s29  }
0x39: {  	[tilespmem:s16], [sflag:$0x3] =	stream.linear.gather [hbm4b:s30+s3], $0x50, $0x38;
	[tilespmem:$0x19100] =	vst v63  }
0x3a: {  	p0 =	sne.s32 s29, $0x4C4;
	s29 =	sadd.s32 $0xFFFFFB00, s25  }
0x3b: {  	[tilespmem:s17], [sflag:$0x4] =	stream.linear.gather [hbm4b:s29+s3], $0x2800, $0x38;
	[tilespmem:$0x19100] =	vst v63  }
0x3c: {  	_ =	swait.ge [sflag:s18], $0x50  }
0x3d: {  	[sflag:s18] =	ssyncset.done $0x0  }
0x3e: {  	[sflag:s18] =	ssyncadd.s32 $0xFFFFFFB0  }
0x3f: {  	_ =	swait.ge [sflag:s19], $0x2800  }
0x40: {  	[sflag:s19] =	ssyncset.done $0x0  }
0x41: {  	[sflag:s19] =	ssyncadd.s32 $0xFFFFD800  }
0x42: {  	[spmem:s2] =	stream.indirect.scatter.add.f32 [tilespmem:s15], [sflag:$0x5], $0x80, s3, s20, $0xb8;
	[tilespmem:$0x19100] =	vst v63  }
0x43: {  	_ =	swait.ge [sflag:s14], $0x2800  }
0x44: {  	s29 =	sshrl.u32 s26, $0x3;
	[sflag:s14] =	ssyncset.done $0x0  }
0x45: {  	s29 =	sadd.s32 s4, s29;
	[sflag:s14] =	ssyncadd.s32 $0xFFFFD800  }
0x46: {  	[tilespmem:s3], [sflag:$0x1] =	stream.linear.gather [hbm4b:s29+s3], $0x50, $0x38;
	[tilespmem:$0x19100] =	vst v63  }
0x47: {  	_ = 	snop  }
0x48: {  	[tilespmem:s15], [sflag:$0x2] =	stream.linear.gather [hbm4b:s25+s3], $0x2800, $0x38;
	[tilespmem:$0x19100] =	vst v63  }
0x49: {  	_ =	swait.ge [sflag:s21], $0x50  }
0x4a: {  	[sflag:s21] =	ssyncset.done $0x0  }
0x4b: {  	[sflag:s21] =	ssyncadd.s32 $0xFFFFFFB0  }
0x4c: {  	_ =	swait.ge [sflag:s22], $0x2800  }
.Ltmp0:
0x4d: {  	[sflag:s22] =	ssyncset.done $0x0;
	(pc) =	sbr.rel @p0 .LBB2_2-.Ltmp0, $4  }
0x4e: {  	[sflag:s22] =	ssyncadd.s32 $0xFFFFD800  }
0x4f: {  	[spmem:s2] =	stream.indirect.scatter.add.f32 [tilespmem:s17], [sflag:$0x5], $0x80, s16, s20, $0xb8;
	[tilespmem:$0x19100] =	vst v63  }
0x50: {  	s26 =	sadd.s32 $0xA0, s26;
	_ =	swait.ge [sflag:s14], $0x2800  }
0x51: {  	s29 =	smov.u32 s31;
	s25 =	sadd.s32 $0xA00, s25;
	[sflag:s14] =	ssyncset.done $0x0  }
0x52: {  	s28 =	sadd.s32 s28, s12;
	[sflag:s14] =	ssyncadd.s32 $0xFFFFD800  }
0x53: {  	[tilespmem:s16], [sflag:$0x3] =	stream.linear.gather [hbm4b:s28+s3], $0x50, $0x38;
	[tilespmem:$0x19100] =	vst v63  }
0x54: {  	s31 =	sadd.s32 $0xFFFFFB00, s25  }
0x55: {  	[tilespmem:s17], [sflag:$0x4] =	stream.linear.gather [hbm4b:s31+s3], $0x2800, $0x38;
	[tilespmem:$0x19100] =	vst v63  }
0x56: {  	_ =	swait.ge [sflag:s18], $0x50  }
0x57: {  	[sflag:s18] =	ssyncset.done $0x0  }
0x58: {  	[sflag:s18] =	ssyncadd.s32 $0xFFFFFFB0  }
0x59: {  	_ =	swait.ge [sflag:s19], $0x2800  }
0x5a: {  	[sflag:s19] =	ssyncset.done $0x0  }
0x5b: {  	[sflag:s19] =	ssyncadd.s32 $0xFFFFD800  }
0x5c: {  	[spmem:s2] =	stream.indirect.scatter.add.f32 [tilespmem:s15], [sflag:$0x5], $0x80, s3, s20, $0xb8;
	[tilespmem:$0x19100] =	vst v63  }
0x5d: {  	_ =	swait.ge [sflag:s14], $0x2800  }
0x5e: {  	s26 =	sshrl.u32 s26, $0x3;
	[sflag:s14] =	ssyncset.done $0x0  }
0x5f: {  	s26 =	sadd.s32 s4, s26;
	[sflag:s14] =	ssyncadd.s32 $0xFFFFD800  }
0x60: {  	[tilespmem:s3], [sflag:$0x1] =	stream.linear.gather [hbm4b:s26+s3], $0x50, $0x38;
	[tilespmem:$0x19100] =	vst v63  }
0x61: {  	_ = 	snop  }
0x62: {  	[tilespmem:s15], [sflag:$0x2] =	stream.linear.gather [hbm4b:s25+s3], $0x2800, $0x38;
	[tilespmem:$0x19100] =	vst v63  }
0x63: {  	_ =	swait.ge [sflag:s21], $0x50  }
0x64: {  	[sflag:s21] =	ssyncset.done $0x0  }
0x65: {  	[sflag:s21] =	ssyncadd.s32 $0xFFFFFFB0  }
0x66: {  	_ =	swait.ge [sflag:s22], $0x2800  }
0x67: {  	[sflag:s22] =	ssyncset.done $0x0  }
0x68: {  	[sflag:s22] =	ssyncadd.s32 $0xFFFFD800  }
0x69: {  	[spmem:s2] =	stream.indirect.scatter.add.f32 [tilespmem:s17], [sflag:$0x5], $0x80, s16, s20, $0xb8;
	[tilespmem:$0x19100] =	vst v63  }
0x6a: {  	_ =	swait.ge [sflag:s14], $0x2800  }
0x6b: {  	[sflag:s14] =	ssyncset.done $0x0  }
0x6c: {  	[sflag:s14] =	ssyncadd.s32 $0xFFFFD800  }
0x6d: {  	_ =	swait.ge [sflag:s18], $0x50  }
0x6e: {  	[sflag:s18] =	ssyncset.done $0x0  }
0x6f: {  	[sflag:s18] =	ssyncadd.s32 $0xFFFFFFB0  }
0x70: {  	_ =	swait.ge [sflag:s19], $0x2800  }
0x71: {  	[sflag:s19] =	ssyncset.done $0x0  }
0x72: {  	[sflag:s19] =	ssyncadd.s32 $0xFFFFD800  }
0x73: {  	[spmem:s2] =	stream.indirect.scatter.add.f32 [tilespmem:s15], [sflag:$0x5], $0x80, s3, s20, $0xb8;
	[tilespmem:$0x19100] =	vst v63  }
0x74: {  	_ =	swait.ge [sflag:s14], $0x2800  }
0x75: {  	s24 =	sadd.s32 $0x1, s24;
	[sflag:s14] =	ssyncset.done $0x0  }
0x76: {  	p0 =	sne.s32 s24, s9;
	[sflag:s14] =	ssyncadd.s32 $0xFFFFD800  }
.Ltmp1:
0x77: {  	[bflag:$0x0] =	sbarrier.arrive $0xFFFF;
	(pc) =	sbr.rel @p0 .LBB2_1-.Ltmp1, $4  }
0x78: {  	[hbm:s23], [sflag:s6] =	dma.local [spmem:s13], $0x2800  }
0x79: {  	_ =	swait.ge [sflag:s14], $0x2800  }
0x7a: {  	[sflag:s14] =	ssyncset.done $0x0  }
0x7b: {  	[sflag:s14] =	ssyncadd.s32 $0xFFFFD800  }
0x7c: {  	_ =	sfence.sel $0x180000  }
0x7d: {  	[bflag:$0x0] =	sbarrier.arrive $0xFFFF  }
0x7e: {  	p0 =	sne.s32 s1, $0x0;
	_ =	strace $0x90000056  }
0x7f: {  	s0 =	sadd.s32 @!p0 $0x100000, s0;
	[bflag:$0x2] =	sbarrier.arrive $0xFFFF  }
0x80: {  	[sflag:s0] =	ssyncadd.tile.s32 @!p0 $0x1;
	_ =	shalt  }
.Lfunc_end2:
_tile_overlayer_lowered:
.L_overlay_start_2:
0x81: {  	(tag) =	ssettag $0x2  }
0x82: {  	s0 =	rddreg [dreg:$0x0];
	s2 =	stileid.u32  }
0x83: {  	s1 =	rddreg [dreg:$0x1];
	p0 =	sne.s32 s2, $0x0  }
0x84: {  	s3 =	rddreg [dreg:$0x2];
	[bflag:$0x3] =	sbarrier.arrive $0xFFFF;
	s2 =	simm.s32 @!p0 $0x1C05  }
0x85: {  	[timem:s3], [sflag:s2] =	dma.local @!p0 [hbm:s0], s1  }
0x86: {  	s0 =	simm.s32 @!p0 $0x5  }
0x87: {  	_ =	swait.ge @!p0 [sflag:s0], s1  }
0x88: {  	s1 =	ssub.s32 @!p0 $0x0, s1;
	[sflag:s0] =	ssyncset.done @!p0 $0x0  }
0x89: {  	[sflag:s0] =	ssyncadd.s32 @!p0 s1  }
0x8a: {  	[bflag:$0x3] =	sbarrier.arrive $0xFFFF  }
0x8b: {  	_ =	shalt  }

// kernel: sparse-core-data-format-call.1.cloned.1.call-start
scs
called_computation.1_lowered:
.L_overlay_start_0:
0x0: {  	s2 =	sld [smem:$0x3FD9]  }
0x1: {  	s3 =	sld [smem:$0x3FFE];
	_ =	sdelay $0x1  }
0x2: {  	s1 =	srdreg.scid  }
0x3: {  	s0 =	sand.u32 $0x1, s1  }
0x4: {  	s18 =	sshll.u32 s0, $0xA;
	s2 =	sadd.s32 s3, s2  }
0x5: {  	s2 =	sadd.s32 s2, s18  }
0x6: {  	[smem:$0x3FB4] =	sst s2  }
0x7: {  	_ = 	snop  }
0x8: {  	(tm) =	ssettm $0x1  }
0x9: {  	s19 =	sld [smem:$0x3FFB];
	_ =	sdelay $0x3  }
0xa: {  	_ =	strace s19  }
0xb: {  	s2 =	sld [smem:$0x3FFC];
	_ =	sdelay $0x3  }
0xc: {  	_ =	strace s2  }
0xd: {  	s2 =	sld [smem:$0x3FFD];
	_ =	sdelay $0x3  }
0xe: {  	_ =	strace s2  }
0xf: {  	_ =	strace $0x8FFFFFFF  }
0x10: {  	s20 =	sld [smem:$0x3FDB];
	_ =	sdelay $0x1  }
0x11: {  	s21 =	simm.s32 $_scs_section_size  }
0x12: {  	s4 =	simm.s32 $_size__tile_overlayer_lowered;
	s5 =	simm.s32 $_tile_overlayer_lowered  }
0x13: {  	s6 =	simm.s32 $0x1BFF;
	s22 =	sshll.u32 s5, $0x1;
	s3 =	sadd.s32 s21, s20  }
0x14: {  	s23 =	simm.s32 $0x0;
	s4 =	sshll.u32 s4, $0x1;
	s5 =	sadd.s32 s22, s3  }
0x15: {  	[timem:s23], [sflag:s6] =	dma.local [hbm:s5], s4  }
0x16: {  	_ =	swait.ge [sflag:s6], s4  }
0x17: {  	s4 =	ssub.s32 $0x0, s4;
	[sflag:s6] =	ssyncset.done $0x0  }
0x18: {  	[sflag:s6] =	ssyncadd.s32 s4;
	_ =	sdelay $0x1  }
0x19: {  	s24 =	simm.s32 $0x1B8B  }
0x1a: {  	_ =	swait.ge [sflag:s24], $0x1  }
0x1b: {  	[sflag:s24] =	ssyncset.done $0x0  }
0x1c: {  	[sflag:s24] =	ssyncadd.s32 $0xFFFFFFFF  }
0x1d: {  	s4 =	sld [smem:$0x0]  }
0x1e: {  	s5 =	sand.u32 $0xFFFFFFFE, s1  }
0x1f: {  	p0 =	sne.s32 s1, s5  }
0x20: {  	s5 =	sshll.u32 @p0 s5, $0xE  }
0x21: {  	s5 =	sadd.s32 @p0 $0x11B8D, s5;
	s6 =	sshll.u32 @p0 s4, $0x11  }
0x22: {  	s5 =	sor.u32 @p0 s6, s5  }
0x23: {  	[sflag:s5] =	ssyncadd.remote.s32 @p0 $0x1;
	_ =	sdelay $0x1  }
0x24: {  	s5 =	simm.s32 @p0 $0x1B8D  }
0x25: {  	_ =	swait.eq @p0 [sflag:s5], $0x1  }
0x26: {  	[sflag:s5] =	ssyncadd.s32 @p0 $0xFFFFFFFF  }
0x27: {  	s6 =	sshll.u32 @!p0 s1, $0xE  }
0x28: {  	s6 =	sor.u32 @!p0 $0x4000, s6;
	s5 =	simm.s32 @!p0 $0x1B8D  }
0x29: {  	s4 =	sshll.u32 @!p0 s4, $0x11;
	s6 =	sadd.s32 @!p0 $0x11B8D, s6;
	_ =	swait.eq @!p0 [sflag:s5], $0x1  }
0x2a: {  	s4 =	sor.u32 @!p0 s4, s6;
	[sflag:s5] =	ssyncadd.s32 @!p0 $0xFFFFFFFF  }
0x2b: {  	s26 =	simm.s32 $0x1B8E;
	s25 =	sld [smem:$0x3FFE];
	[sflag:s4] =	ssyncadd.remote.s32 @!p0 $0x1  }
0x2c: {  	s27 =	simm.s32 $execute0_lowered;
	[smem:$0x3FD2] =	sst s26  }
0x2d: {  	s5 =	sshll.u32 s27, $0x1;
	_ =	strace $0x8000004C;
	[dreg:$0x1] =	wrdreg $0xFFFFFFFF  }
0x2e: {  	s28 =	simm.s32 $_size_execute0_lowered;
	s3 =	sadd.s32 s3, s5;
	[dreg:$0x0] =	wrdreg $0x0  }
0x2f: {  	s5 =	sshll.u32 s28, $0x1;
	[dreg:$0x2] =	wrdreg s3  }
0x30: {  	[dreg:$0x3] =	wrdreg s5  }
0x31: {  	[dreg:$0x4] =	wrdreg $0xC0  }
0x32: {  	_ =	task [dreg:s23], $0x5FFFF  }
0x33: {  	[dreg:$0x1] =	wrdreg $0xFFFFFFFF  }
0x34: {  	[dreg:$0x0] =	wrdreg $0x60  }
0x35: {  	[dreg:$0x2] =	wrdreg s25  }
0x36: {  	[dreg:$0x3] =	wrdreg $0x9  }
0x37: {  	_ =	task.clear_ibuf [dreg:s23], $0x4FFFF;
	_ =	strace $0x9000004C  }
0x38: {  	s29 =	simm.s32 $0x9;
	_ =	strace $0x8000004E  }
0x39: {  	_ =	swait.ge [sflag:s29], $0x1  }
0x3a: {  	[sflag:s29] =	ssyncadd.s32 $0xFFFFFFFF  }
0x3b: {  	_ =	strace $0x9000004E  }
0x3c: {  	_ =	sfence  }
0x3d: {  	s30 =	sld [smem:$0x0];
	_ =	sdelay $0x2  }
0x3e: {  	s31 =	sshll.u32 s1, $0xD;
	s1 =	sshrl.u32 s1, $0x2  }
0x3f: {  	s4 =	sand.u32 $0x4000, s31;
	s1 =	sadd.s32 s1, s30  }
0x40: {  	s0 =	sor.u32 s4, s0;
	s1 =	sshll.u32 s1, $0x11  }
0x41: {  	s0 =	sor.u32 s1, s0  }
0x42: {  	s0 =	sadd.s32 $0x8F2B, s0  }
0x43: {  	[sflag:s0] =	ssyncadd.remote.s32 $0x1  }
0x44: {  	_ =	sfence.sel $0xFFFF  }
0x45: {  	[dreg:$0x0] =	wrdreg $0xFFFFFFFF;
	(pc) =	sbr.abs _section_cstart, $3  }
0x46: {  	[dreg:$0x1] =	wrdreg $0xFFFFFFFF  }
0x47: {  	_ =	task.clear_ibuf [dreg:s23], $0x2FFFF;
	_ =	strace $0x9FFFFFFF  }
0x48: {  	(tm) =	ssettm $0x7FFFFFFF  }
0x49: {  	_ =	shalt  }
tec
execute0_lowered:
.L_overlay_start_1:
0x0: {  	(tag) =	ssettag $0x1  }
0x1: {  	s0 =	srdreg.scid  }
0x2: {  	s1 =	sshll.u32 s0, $0x4  }
0x3: {  	s4 =	rddreg [dreg:$0x0];
	s0 =	stileid.u32;
	s1 =	sand.u32 $0x10, s1  }
0x4: {  	s7 =	simm.s32 $0x1;
	s8 =	simm.s32 $0x2;
	s2 =	sor.u32 s0, s1  }
0x5: {  	s11 =	simm.s32 $0x0;
	s3 =	sadd.s32 $0x9D1600, s4;
	s2 =	sshll.u32 s2, $0x7  }
0x6: {  	s10 =	simm.s32 $0x0;
	s4 =	sadd.s32 $0x27E600, s4;
	s6 =	ssub.s32 $0x4E200, s2  }
.Ltmp0:
0x7: {  	s1 =	rddreg [dreg:$0x1];
	s5 =	sand.u32 $0xF80, s6;
	(pc) =	sbr.rel .LBB1_1-.Ltmp0, $4  }
0x8: {  	_ =	strace $0x8000004D;
	s9 =	smov.u32 s2;
	p0 =	sne.s32 s5, $0x0  }
0x9: {  	s6 =	sshrl.u32 s6, $0xC;
	s5 =	simm.s32 $0x1;
	s7 =	simm.s32 @!p0 $0x0  }
0xa: {  	[sflag:s5] =	ssyncpa.u1 $0x0;
	p0 =	por $0x0, $0x0;
	s6 =	sadd.s32 s7, s6  }
0xb: {  	[sflag:s8] =	ssyncpa.u1 $0x0;
	s8 =	simm.s32 $0x271000;
	s7 =	sadd.s32 $0x1, s6  }
.LBB1_4:
0xc: {  	s14 =	sshll.u32 s11, $0x3  }
0xd: {  	s30 =	sand.u32 $0x7F, s11;
	s14 =	sand.u32 $0xFFFFFC00, s14  }
0xe: {  	s11 =	sor.u32 s30, s14  }
0xf: {  	s15 =	smulhi.u32 $0xD1B71759, s11;
	_ =	sdelay $0x1  }
0x10: {  	s14 =	smulhi.u32 $0xD1B71759, s14;
	s15 =	sshrl.u32 s15, $0x12  }
0x11: {  	s15 =	smul.u32 $0x4E200, s15  }
0x12: {  	s14 =	sshrl.u32 s14, $0x12  }
0x13: {  	s14 =	sand.u32 $0x3F, s14;
	s11 =	ssub.s32 s11, s15  }
0x14: {  	[tilespmem:s13+$0x810 ss:$0x81] =	vst.msk $0xffff, v2;
	s14 =	smul.u32 $0x9C40, s14;
	s15 =	sshrl.u32 s11, $0x3;
	s11 =	sand.u32 $0x7, s11  }
0x15: {  	[tilespmem:s13+$0x1020 ss:$0x81] =	vst.msk $0xffff, v0;
	s15 =	sadd.s32 s4, s15;
	s11 =	sshll.u32 s11, $0x12  }
0x16: {  	[tilespmem:s13+$0x0 ss:$0x81] =	vst.msk $0xffff, v1;
	s31 =	sadd.s32 s14, s15;
	s11 =	sor.u32 $0x400, s11  }
0x17: {  	[hbm4b:s31+s11] =	stream.strided.scatter [tilespmem:s12], [sflag:$0x2], $0x2000, s8, s11, $0x20;
	[tilespmem:$0x8080] =	vst v63  }
.LBB1_5:
0x18: {  	s13 =	sadd.s32 $0x1000, s9  }
0x19: {  	p2 =	sgt.s32 s13, $0x4E1FF  }
0x1a: {  	s13 =	smov.u32 @p2 s2;
	p2 =	sne.s32 s10, s7  }
.Ltmp1:
0x1b: {  	p1 =	slt.u32 s10, $0x2;
	(pc) =	sbr.rel @!p2 .LBB1_6-.Ltmp1, $4  }
0x1c: {  	s12 =	simm.s32 @!p1 $0x2  }
0x1d: {  	s14 =	sadd.s32 $0x1, s10;
	_ =	swait.ge @!p1 [sflag:s12], $0x2000  }
0x1e: {  	s11 =	smov.u32 s9;
	p0 =	por !p0, !p0;
	[sflag:s12] =	ssyncset.done @!p1 $0x0  }
0x1f: {  	s10 =	smov.u32 s14;
	s9 =	smov.u32 s13;
	[sflag:s12] =	ssyncadd.s32 @!p1 $0xFFFFE000  }
.LBB1_1:
0x20: {  	p1 =	sge.u32 s10, s6  }
0x21: {  	s12 =	sand.u32 @!p1 $0x1FFFFFF, s9  }
0x22: {  	s13 =	smulhi.u32 @!p1 $0x1A36E2F, s12;
	_ =	sdelay $0x1  }
0x23: {  	s13 =	sshrl.u32 @!p1 s13, $0xB  }
0x24: {  	s13 =	smul.u32 @!p1 $0x4E200, s13;
	_ =	sdelay $0x1  }
0x25: {  	s31 =	sadd.s32 $0xFFFFFFFF, s10;
	s14 =	sxor.u32 @!p1 $0xFFFFFFFF, s10;
	s12 =	ssub.s32 @!p1 s12, s13  }
0x26: {  	s15 =	simm.s32 @!p1 $0x80;
	s14 =	sshll.u32 @!p1 s14, $0xD;
	s12 =	sshll.u32 @!p1 s12, $0x4  }
0x27: {  	s13 =	sand.u32 @!p1 $0x2000, s14;
	s14 =	simm.s32 @!p1 $0x40;
	s12 =	sadd.s32 @!p1 s3, s12  }
0x28: {  	[tilespmem:s13], [sflag:$0x1] =	stream.strided.gather @!p1 [hbm4b:s12+s14], $0x2000, s15, s14, $0x38;
	[tilespmem:$0x8080] =	vst v63  }
0x29: {  	p1 =	sge.u32 s31, s6  }
.Ltmp2:
0x2a: {  	_ = 	snop;
	(pc) =	sbr.rel @p1 .LBB1_5-.Ltmp2, $1  }
0x2b: {  	_ =	sdelay $0x3  }
0x2c: {  	s12 =	simm.s32 $0x1  }
0x2d: {  	_ =	swait.ge [sflag:s5], $0x2000;
	s12 =	simm.s32 @!p0 $0x0  }
0x2e: {  	[sflag:s5] =	ssyncset.done $0x0;
	s13 =	sshll.u32 s12, $0xD  }
0x2f: {  	[sflag:s5] =	ssyncadd.s32 $0xFFFFE000;
	s16 =	sor.u32 $0x20, s13  }
0x30: {  	s12 =	smul.u32 $0x8100, s12;
	v3 =	vld [tilespmem:s16+$0x10]  }
0x31: {  	s30 =	sand.u32 $0x1, s10;
	v2 =	vld [tilespmem:s16+$0xFFFFFFF0]  }
0x32: {  	s13 =	smul.u32 $0x8100, s30;
	s12 =	sshrl.u32 s12, $0x2;
	v0 =	vld [tilespmem:s16+$0x0]  }
0x33: {  	v1 =	vld [tilespmem:s16+$0xFFFFFFE0];
	s14 =	sor.u32 $0x4000, s12  }
0x34: {  	s31 =	sshrl.u32 s13, $0x2;
	s13 =	sadd.s32 $0x0, s14  }
0x35: {  	s15 =	simm.s32 $0x4;
	s16 =	sadd.s32 $0x40, s16;
	s12 =	sor.u32 $0x4000, s31;
	[tilespmem:s13+$0x1830 ss:$0x81] =	vst.msk $0xffff, v3  }
.LBB1_3:
0x36: {  	v3 =	vld [tilespmem:s16+$0x10];
	p1 =	sne.s32 s15, $0x1FC;
	[tilespmem:s13+$0x810 ss:$0x81] =	vst.msk $0xffff, v2;
	s17 =	smov.u32 s15;
	s15 =	sadd.s32 $0x4, s15  }
.Ltmp3:
0x37: {  	v2 =	vld [tilespmem:s16+$0xFFFFFFF0];
	[tilespmem:s13+$0x1020 ss:$0x81] =	vst.msk $0xffff, v0;
	(pc) =	sbr.rel @p1 .LBB1_3-.Ltmp3, $4  }
0x38: {  	v0 =	vld [tilespmem:s16+$0x0];
	[tilespmem:s13+$0x0 ss:$0x81] =	vst.msk $0xffff, v1  }
0x39: {  	s13 =	sshra.s32 s17, $0x2;
	v1 =	vld [tilespmem:s16+$0xFFFFFFE0]  }
0x3a: {  	s13 =	sadd.s32 s13, s14  }
0x3b: {  	s16 =	sadd.s32 $0x40, s16;
	[tilespmem:s13+$0x1830 ss:$0x81] =	vst.msk $0xffff, v3  }
.Ltmp4:
0x3c: {  	_ = 	snop;
	(pc) =	sbr.rel .LBB1_4-.Ltmp4, $1  }
0x3d: {  	_ =	sdelay $0x3  }
.LBB1_6:
0x3e: {  	_ =	sfence.sel $0x180000  }
0x3f: {  	s2 =	simm.s32 $0x1;
	[bflag:$0x0] =	sbarrier.arrive $0xFFFF  }
0x40: {  	s31 =	simm.s32 $0x2;
	[sflag:s2] =	ssyncpa.u1 $0x1  }
0x41: {  	[sflag:s31] =	ssyncpa.u1 $0x1  }
0x42: {  	p0 =	sne.s32 s0, $0x0;
	_ =	strace $0x9000004D  }
0x43: {  	s0 =	sadd.s32 @!p0 $0x100000, s1;
	[bflag:$0x2] =	sbarrier.arrive $0xFFFF  }
0x44: {  	[sflag:s0] =	ssyncadd.tile.s32 @!p0 $0x1;
	_ =	shalt  }
.Lfunc_end1:
_tile_overlayer_lowered:
.L_overlay_start_2:
0x45: {  	(tag) =	ssettag $0x2  }
0x46: {  	s0 =	rddreg [dreg:$0x0];
	s2 =	stileid.u32  }
0x47: {  	s1 =	rddreg [dreg:$0x1];
	p0 =	sne.s32 s2, $0x0  }
0x48: {  	s3 =	rddreg [dreg:$0x2];
	[bflag:$0x3] =	sbarrier.arrive $0xFFFF;
	s2 =	simm.s32 @!p0 $0x1C01  }
0x49: {  	[timem:s3], [sflag:s2] =	dma.local @!p0 [hbm:s0], s1  }
0x4a: {  	s0 =	simm.s32 @!p0 $0x1  }
0x4b: {  	_ =	swait.ge @!p0 [sflag:s0], s1  }
0x4c: {  	s1 =	ssub.s32 @!p0 $0x0, s1;
	[sflag:s0] =	ssyncset.done @!p0 $0x0  }
0x4d: {  	[sflag:s0] =	ssyncadd.s32 @!p0 s1  }
0x4e: {  	[bflag:$0x3] =	sbarrier.arrive $0xFFFF  }
0x4f: {  	_ =	shalt  }

// kernel: sparse-core-data-format-call.2.cloned.1.call-start
scs
called_computation.2_lowered:
.L_overlay_start_0:
0x0: {  	s2 =	sld [smem:$0x3FD9]  }
0x1: {  	s3 =	sld [smem:$0x3FFE];
	_ =	sdelay $0x1  }
0x2: {  	s1 =	srdreg.scid  }
0x3: {  	s0 =	sand.u32 $0x1, s1  }
0x4: {  	s18 =	sshll.u32 s0, $0xA;
	s2 =	sadd.s32 s3, s2  }
0x5: {  	s2 =	sadd.s32 s2, s18  }
0x6: {  	[smem:$0x3FB4] =	sst s2  }
0x7: {  	_ = 	snop  }
0x8: {  	(tm) =	ssettm $0x1  }
0x9: {  	s19 =	sld [smem:$0x3FFB];
	_ =	sdelay $0x3  }
0xa: {  	_ =	strace s19  }
0xb: {  	s2 =	sld [smem:$0x3FFC];
	_ =	sdelay $0x3  }
0xc: {  	_ =	strace s2  }
0xd: {  	s2 =	sld [smem:$0x3FFD];
	_ =	sdelay $0x3  }
0xe: {  	_ =	strace s2  }
0xf: {  	_ =	strace $0x8FFFFFFF  }
0x10: {  	s20 =	sld [smem:$0x3FDB];
	_ =	sdelay $0x1  }
0x11: {  	s21 =	simm.s32 $_scs_section_size  }
0x12: {  	s4 =	simm.s32 $_size__tile_overlayer_lowered;
	s5 =	simm.s32 $_tile_overlayer_lowered  }
0x13: {  	s6 =	simm.s32 $0x1BFF;
	s22 =	sshll.u32 s5, $0x1;
	s3 =	sadd.s32 s21, s20  }
0x14: {  	s23 =	simm.s32 $0x0;
	s4 =	sshll.u32 s4, $0x1;
	s5 =	sadd.s32 s22, s3  }
0x15: {  	[timem:s23], [sflag:s6] =	dma.local [hbm:s5], s4  }
0x16: {  	_ =	swait.ge [sflag:s6], s4  }
0x17: {  	s4 =	ssub.s32 $0x0, s4;
	[sflag:s6] =	ssyncset.done $0x0  }
0x18: {  	[sflag:s6] =	ssyncadd.s32 s4;
	_ =	sdelay $0x1  }
0x19: {  	s24 =	simm.s32 $0x1B8B  }
0x1a: {  	_ =	swait.ge [sflag:s24], $0x1  }
0x1b: {  	[sflag:s24] =	ssyncset.done $0x0  }
0x1c: {  	[sflag:s24] =	ssyncadd.s32 $0xFFFFFFFF  }
0x1d: {  	s4 =	sld [smem:$0x0]  }
0x1e: {  	s5 =	sand.u32 $0xFFFFFFFE, s1  }
0x1f: {  	p0 =	sne.s32 s1, s5  }
0x20: {  	s5 =	sshll.u32 @p0 s5, $0xE  }
0x21: {  	s5 =	sadd.s32 @p0 $0x11B8D, s5;
	s6 =	sshll.u32 @p0 s4, $0x11  }
0x22: {  	s5 =	sor.u32 @p0 s6, s5  }
0x23: {  	[sflag:s5] =	ssyncadd.remote.s32 @p0 $0x1;
	_ =	sdelay $0x1  }
0x24: {  	s5 =	simm.s32 @p0 $0x1B8D  }
0x25: {  	_ =	swait.eq @p0 [sflag:s5], $0x1  }
0x26: {  	[sflag:s5] =	ssyncadd.s32 @p0 $0xFFFFFFFF  }
0x27: {  	s6 =	sshll.u32 @!p0 s1, $0xE  }
0x28: {  	s6 =	sor.u32 @!p0 $0x4000, s6;
	s5 =	simm.s32 @!p0 $0x1B8D  }
0x29: {  	s4 =	sshll.u32 @!p0 s4, $0x11;
	s6 =	sadd.s32 @!p0 $0x11B8D, s6;
	_ =	swait.eq @!p0 [sflag:s5], $0x1  }
0x2a: {  	s4 =	sor.u32 @!p0 s4, s6;
	[sflag:s5] =	ssyncadd.s32 @!p0 $0xFFFFFFFF  }
0x2b: {  	s26 =	simm.s32 $0x1B8E;
	s25 =	sld [smem:$0x3FFE];
	[sflag:s4] =	ssyncadd.remote.s32 @!p0 $0x1  }
0x2c: {  	s27 =	simm.s32 $execute0_lowered;
	[smem:$0x3FD2] =	sst s26  }
0x2d: {  	s5 =	sshll.u32 s27, $0x1;
	_ =	strace $0x8000004F;
	[dreg:$0x1] =	wrdreg $0xFFFFFFFF  }
0x2e: {  	s28 =	simm.s32 $_size_execute0_lowered;
	s3 =	sadd.s32 s3, s5;
	[dreg:$0x0] =	wrdreg $0x0  }
0x2f: {  	s5 =	sshll.u32 s28, $0x1;
	[dreg:$0x2] =	wrdreg s3  }
0x30: {  	[dreg:$0x3] =	wrdreg s5  }
0x31: {  	[dreg:$0x4] =	wrdreg $0xC0  }
0x32: {  	_ =	task [dreg:s23], $0x5FFFF  }
0x33: {  	[dreg:$0x1] =	wrdreg $0xFFFFFFFF  }
0x34: {  	[dreg:$0x0] =	wrdreg $0x60  }
0x35: {  	[dreg:$0x2] =	wrdreg s25  }
0x36: {  	[dreg:$0x3] =	wrdreg $0xA  }
0x37: {  	_ =	task.clear_ibuf [dreg:s23], $0x4FFFF;
	_ =	strace $0x9000004F  }
0x38: {  	s29 =	simm.s32 $0xA;
	_ =	strace $0x80000051  }
0x39: {  	_ =	swait.ge [sflag:s29], $0x1  }
0x3a: {  	[sflag:s29] =	ssyncadd.s32 $0xFFFFFFFF  }
0x3b: {  	_ =	strace $0x90000051  }
0x3c: {  	_ =	sfence  }
0x3d: {  	s30 =	sld [smem:$0x0];
	_ =	sdelay $0x2  }
0x3e: {  	s31 =	sshll.u32 s1, $0xD;
	s1 =	sshrl.u32 s1, $0x2  }
0x3f: {  	s4 =	sand.u32 $0x4000, s31;
	s1 =	sadd.s32 s1, s30  }
0x40: {  	s0 =	sor.u32 s4, s0;
	s1 =	sshll.u32 s1, $0x11  }
0x41: {  	s0 =	sor.u32 s1, s0  }
0x42: {  	s0 =	sadd.s32 $0x8F2B, s0  }
0x43: {  	[sflag:s0] =	ssyncadd.remote.s32 $0x1  }
0x44: {  	_ =	sfence.sel $0xFFFF  }
0x45: {  	[dreg:$0x0] =	wrdreg $0xFFFFFFFF;
	(pc) =	sbr.abs _section_cstart, $3  }
0x46: {  	[dreg:$0x1] =	wrdreg $0xFFFFFFFF  }
0x47: {  	_ =	task.clear_ibuf [dreg:s23], $0x2FFFF;
	_ =	strace $0x9FFFFFFF  }
0x48: {  	(tm) =	ssettm $0x7FFFFFFF  }
0x49: {  	_ =	shalt  }
tec
execute0_lowered:
.L_overlay_start_1:
0x0: {  	(tag) =	ssettag $0x1  }
0x1: {  	s0 =	srdreg.scid  }
0x2: {  	s5 =	rddreg [dreg:$0x0];
	s1 =	sshll.u32 s0, $0x4  }
0x3: {  	s4 =	simm.s32 $0x1;
	s0 =	stileid.u32;
	s1 =	sand.u32 $0x10, s1  }
0x4: {  	s8 =	simm.s32 $0x2;
	s12 =	simm.s32 $0x0;
	s2 =	sor.u32 s0, s1  }
0x5: {  	s11 =	simm.s32 $0x0;
	s9 =	simm.s32 $0x0;
	s2 =	sshll.u32 s2, $0x7  }
0x6: {  	s10 =	simm.s32 $0x0;
	s3 =	sadd.s32 $0x4EF600, s5;
	s6 =	ssub.s32 $0x4E200, s2  }
.Ltmp0:
0x7: {  	s1 =	rddreg [dreg:$0x1];
	s7 =	sand.u32 $0xF80, s6;
	(pc) =	sbr.rel .LBB1_1-.Ltmp0, $4  }
0x8: {  	_ =	strace $0x80000050;
	p0 =	sne.s32 s7, $0x0;
	s7 =	simm.s32 $0x1  }
0x9: {  	[sflag:s4] =	ssyncpa.u1 $0x0;
	s6 =	sshrl.u32 s6, $0xC;
	s7 =	simm.s32 @!p0 $0x0  }
0xa: {  	s5 =	sadd.s32 $0xEB3600, s5;
	[sflag:s8] =	ssyncpa.u1 $0x0;
	s6 =	sadd.s32 s7, s6  }
0xb: {  	s8 =	smov.u32 s2;
	p0 =	por $0x0, $0x0;
	s7 =	sadd.s32 $0x1, s6  }
.LBB1_4:
0xc: {  	s12 =	sshll.u32 s12, $0x7;
	s18 =	sshll.u32 s11, $0x3  }
0xd: {  	v5 =	vld [tilespmem:s16+$0xFFFFFFD0];
	[tilespmem:s15+$0x2040 ss:$0x81] =	vst.msk $0xffff, v4;
	s19 =	sand.u32 $0xFFFFFC00, s12;
	s18 =	sand.u32 $0xFFFFFC00, s18  }
0xe: {  	v58 =	vld [tilespmem:s16+$0xFFFFFFE0];
	[tilespmem:s15+$0x2850 ss:$0x81] =	vst.msk $0xffff, v3;
	s12 =	sand.u32 $0x380, s12;
	s18 =	sadd.s32 s18, s19  }
0xf: {  	s17 =	sshra.s32 s17, $0x2;
	v59 =	vld [tilespmem:s16+$0xFFFFFFF0];
	[tilespmem:s15+$0x3060 ss:$0x81] =	vst.msk $0xffff, v2;
	s12 =	sor.u32 s12, s18  }
0x10: {  	v60 =	vld [tilespmem:s16+$0x0];
	[tilespmem:s15+$0x0 ss:$0x81] =	vst.msk $0xffff, v0;
	s14 =	sadd.s32 s17, s14;
	s12 =	sshrl.u32 s12, $0x7  }
0x11: {  	v61 =	vld [tilespmem:s16+$0x10];
	[tilespmem:s14+$0x3870 ss:$0x81] =	vst.msk $0xffff, v1;
	s28 =	smulhi.u32 $0x1A36E2F, s12  }
0x12: {  	v62 =	vld [tilespmem:s16+$0x20];
	[tilespmem:s14+$0x810 ss:$0x81] =	vst.msk $0xffff, v5  }
0x13: {  	v63 =	vld [tilespmem:s16+$0xFFFFFFC0];
	[tilespmem:s14+$0x1020 ss:$0x81] =	vst.msk $0xffff, v58;
	s15 =	sshrl.u32 s28, $0xB  }
0x14: {  	[tilespmem:s14+$0x1830 ss:$0x81] =	vst.msk $0xffff, v59;
	s15 =	smul.u32 $0x4E200, s15  }
0x15: {  	s29 =	sshrl.u32 s11, $0x3;
	[tilespmem:s14+$0x2040 ss:$0x81] =	vst.msk $0xffff, v60  }
0x16: {  	s30 =	sand.u32 $0xF, s29;
	[tilespmem:s14+$0x2850 ss:$0x81] =	vst.msk $0xffff, v61;
	s12 =	ssub.s32 s12, s15  }
0x17: {  	[tilespmem:s14+$0x3060 ss:$0x81] =	vst.msk $0xffff, v62;
	s15 =	sadd.s32 s5, s30;
	s12 =	sshll.u32 s12, $0x4  }
0x18: {  	s31 =	sand.u32 $0x7, s11;
	[tilespmem:s14+$0x0 ss:$0x81] =	vst.msk $0xffff, v63;
	s12 =	sadd.s32 s12, s15  }
0x19: {  	[hbm4b:s12+s31] =	stream.linear.scatter [tilespmem:s13], [sflag:$0x2], $0x4000, $0x20;
	[tilespmem:$0x10100] =	vst v63  }
.LBB1_5:
0x1a: {  	s13 =	sadd.s32 $0x1000, s8  }
0x1b: {  	s11 =	sadd.s32 $0x80, s9;
	s15 =	smov.u32 s9;
	p2 =	sgt.s32 s13, $0x4E1FF  }
0x1c: {  	s15 =	smov.u32 @p2 s11  }
0x1d: {  	s13 =	smov.u32 @p2 s2;
	p2 =	sgt.s32 s15, $0x7F  }
0x1e: {  	s15 =	simm.s32 @p2 $0x0;
	p2 =	sne.s32 s10, s7  }
.Ltmp1:
0x1f: {  	p1 =	slt.u32 s10, $0x2;
	(pc) =	sbr.rel @!p2 .LBB1_6-.Ltmp1, $4  }
0x20: {  	s14 =	simm.s32 @!p1 $0x2  }
0x21: {  	s12 =	smov.u32 s8;
	p0 =	por !p0, !p0;
	_ =	swait.ge @!p1 [sflag:s14], $0x4000  }
0x22: {  	s11 =	smov.u32 s9;
	[sflag:s14] =	ssyncset.done @!p1 $0x0;
	s8 =	smov.u32 s13  }
0x23: {  	s10 =	sadd.s32 $0x1, s10;
	[sflag:s14] =	ssyncadd.s32 @!p1 $0xFFFFC000;
	s9 =	smov.u32 s15  }
.LBB1_1:
0x24: {  	p1 =	sge.u32 s10, s6  }
0x25: {  	s13 =	sshrl.u32 @!p1 s9, $0x3  }
0x26: {  	s14 =	sshll.u32 @!p1 s8, $0x3;
	s13 =	smul.u32 @!p1 $0x271000, s13  }
0x27: {  	s15 =	sshll.u32 @!p1 s9, $0x7;
	s14 =	sand.u32 @!p1 $0xFFFFFC00, s14  }
0x28: {  	s13 =	sadd.s32 @!p1 s13, s14;
	s14 =	sand.u32 @!p1 $0x380, s15  }
0x29: {  	s15 =	sand.u32 @!p1 $0x7F, s8;
	s13 =	sor.u32 @!p1 s14, s13  }
0x2a: {  	s14 =	sor.u32 @!p1 s15, s13  }
0x2b: {  	s15 =	smulhi.u32 @!p1 $0xD1B71759, s14;
	_ =	sdelay $0x1  }
0x2c: {  	s13 =	smulhi.u32 @!p1 $0xD1B71759, s13;
	s15 =	sshrl.u32 @!p1 s15, $0x12  }
0x2d: {  	s15 =	smul.u32 @!p1 $0x4E200, s15  }
0x2e: {  	s31 =	sadd.s32 $0xFFFFFFFF, s10;
	s16 =	sxor.u32 @!p1 $0xFFFFFFFF, s10;
	s13 =	sshrl.u32 @!p1 s13, $0x12  }
0x2f: {  	s16 =	sshll.u32 @!p1 s16, $0xE;
	s13 =	sand.u32 @!p1 $0x7F, s13;
	s14 =	ssub.s32 @!p1 s14, s15  }
0x30: {  	s13 =	smul.u32 @!p1 $0x9C40, s13;
	s15 =	sshrl.u32 @!p1 s14, $0x3;
	s14 =	sand.u32 @!p1 $0x7, s14  }
0x31: {  	s16 =	sand.u32 @!p1 $0x4000, s16;
	s15 =	sadd.s32 @!p1 s3, s15;
	s14 =	sshll.u32 @!p1 s14, $0x12  }
0x32: {  	s13 =	sadd.s32 @!p1 s13, s15;
	s14 =	sor.u32 @!p1 $0x400, s14;
	s15 =	simm.s32 @!p1 $0x271000  }
0x33: {  	[tilespmem:s16], [sflag:$0x1] =	stream.strided.gather @!p1 [hbm4b:s13+s14], $0x4000, s15, s14, $0x38;
	[tilespmem:$0x10100] =	vst v63  }
0x34: {  	p1 =	sge.u32 s31, s6  }
.Ltmp2:
0x35: {  	_ = 	snop;
	(pc) =	sbr.rel @p1 .LBB1_5-.Ltmp2, $1  }
0x36: {  	_ =	sdelay $0x3  }
0x37: {  	s13 =	simm.s32 $0x1  }
0x38: {  	_ =	swait.ge [sflag:s4], $0x4000;
	s13 =	simm.s32 @!p0 $0x0  }
0x39: {  	[sflag:s4] =	ssyncset.done $0x0;
	s14 =	sshll.u32 s13, $0xE  }
0x3a: {  	[sflag:s4] =	ssyncadd.s32 $0xFFFFC000;
	s16 =	sor.u32 $0x40, s14  }
0x3b: {  	s13 =	smul.u32 $0x10200, s13;
	v0 =	vld [tilespmem:s16+$0x30]  }
0x3c: {  	v1 =	vld [tilespmem:s16+$0xFFFFFFD0]  }
0x3d: {  	s13 =	sshrl.u32 s13, $0x2;
	v5 =	vld [tilespmem:s16+$0xFFFFFFE0]  }
0x3e: {  	v6 =	vld [tilespmem:s16+$0xFFFFFFF0];
	s14 =	sor.u32 $0x8000, s13  }
0x3f: {  	s31 =	sand.u32 $0x1, s10;
	v4 =	vld [tilespmem:s16+$0x0];
	s15 =	sadd.s32 $0x0, s14  }
0x40: {  	v3 =	vld [tilespmem:s16+$0x10];
	s13 =	smul.u32 $0x10200, s31;
	[tilespmem:s15+$0x3870 ss:$0x81] =	vst.msk $0xffff, v0  }
0x41: {  	v2 =	vld [tilespmem:s16+$0x20];
	[tilespmem:s15+$0x810 ss:$0x81] =	vst.msk $0xffff, v1  }
0x42: {  	s13 =	sshrl.u32 s13, $0x2;
	v0 =	vld [tilespmem:s16+$0xFFFFFFC0];
	[tilespmem:s15+$0x1020 ss:$0x81] =	vst.msk $0xffff, v5;
	s16 =	sadd.s32 $0x80, s16  }
0x43: {  	s17 =	simm.s32 $0x4;
	s18 =	simm.s32 $0x8;
	s13 =	sor.u32 $0x8000, s13;
	[tilespmem:s15+$0x1830 ss:$0x81] =	vst.msk $0xffff, v6;
	v1 =	vld [tilespmem:s16+$0x30]  }
.LBB1_3:
0x44: {  	p1 =	sne.s32 s18, $0x1FC;
	v5 =	vld [tilespmem:s16+$0xFFFFFFD0];
	[tilespmem:s15+$0x2040 ss:$0x81] =	vst.msk $0xffff, v4  }
0x45: {  	v6 =	vld [tilespmem:s16+$0xFFFFFFE0];
	[tilespmem:s15+$0x2850 ss:$0x81] =	vst.msk $0xffff, v3  }
0x46: {  	s19 =	sshra.s32 s17, $0x2;
	s17 =	smov.u32 s18;
	v7 =	vld [tilespmem:s16+$0xFFFFFFF0];
	[tilespmem:s15+$0x3060 ss:$0x81] =	vst.msk $0xffff, v2  }
.Ltmp3:
0x47: {  	v4 =	vld [tilespmem:s16+$0x0];
	[tilespmem:s15+$0x0 ss:$0x81] =	vst.msk $0xffff, v0;
	s15 =	sadd.s32 s19, s14;
	(pc) =	sbr.rel @p1 .LBB1_3-.Ltmp3, $4  }
0x48: {  	v3 =	vld [tilespmem:s16+$0x10];
	[tilespmem:s15+$0x3870 ss:$0x81] =	vst.msk $0xffff, v1  }
0x49: {  	[tilespmem:s15+$0x810 ss:$0x81] =	vst.msk $0xffff, v5;
	v2 =	vld [tilespmem:s16+$0x20]  }
0x4a: {  	v0 =	vld [tilespmem:s16+$0xFFFFFFC0];
	[tilespmem:s15+$0x1020 ss:$0x81] =	vst.msk $0xffff, v6;
	s16 =	sadd.s32 $0x80, s16  }
0x4b: {  	s18 =	sadd.s32 $0x4, s18;
	v1 =	vld [tilespmem:s16+$0x30];
	[tilespmem:s15+$0x1830 ss:$0x81] =	vst.msk $0xffff, v7  }
.Ltmp4:
0x4c: {  	_ = 	snop;
	(pc) =	sbr.rel .LBB1_4-.Ltmp4, $1  }
0x4d: {  	_ =	sdelay $0x3  }
.LBB1_6:
0x4e: {  	_ =	sfence.sel $0x180000  }
0x4f: {  	s2 =	simm.s32 $0x1;
	[bflag:$0x0] =	sbarrier.arrive $0xFFFF  }
0x50: {  	s31 =	simm.s32 $0x2;
	[sflag:s2] =	ssyncpa.u1 $0x1  }
0x51: {  	[sflag:s31] =	ssyncpa.u1 $0x1  }
0x52: {  	p0 =	sne.s32 s0, $0x0;
	_ =	strace $0x90000050  }
0x53: {  	s0 =	sadd.s32 @!p0 $0x100000, s1;
	[bflag:$0x2] =	sbarrier.arrive $0xFFFF  }
0x54: {  	[sflag:s0] =	ssyncadd.tile.s32 @!p0 $0x1;
	_ =	shalt  }
.Lfunc_end1:
_tile_overlayer_lowered:
.L_overlay_start_2:
0x55: {  	(tag) =	ssettag $0x2  }
0x56: {  	s0 =	rddreg [dreg:$0x0];
	s2 =	stileid.u32  }
0x57: {  	s1 =	rddreg [dreg:$0x1];
	p0 =	sne.s32 s2, $0x0  }
0x58: {  	s3 =	rddreg [dreg:$0x2];
	[bflag:$0x3] =	sbarrier.arrive $0xFFFF;
	s2 =	simm.s32 @!p0 $0x1C01  }
0x59: {  	[timem:s3], [sflag:s2] =	dma.local @!p0 [hbm:s0], s1  }
0x5a: {  	s0 =	simm.s32 @!p0 $0x1  }
0x5b: {  	_ =	swait.ge @!p0 [sflag:s0], s1  }
0x5c: {  	s1 =	ssub.s32 @!p0 $0x0, s1;
	[sflag:s0] =	ssyncset.done @!p0 $0x0  }
0x5d: {  	[sflag:s0] =	ssyncadd.s32 @!p0 s1  }
0x5e: {  	[bflag:$0x3] =	sbarrier.arrive $0xFFFF  }
0x5f: {  	_ =	shalt  }

// kernel: sparse-core-data-format-call.3.cloned.1.call-start
scs
called_computation.3_lowered:
.L_overlay_start_0:
0x0: {  	s1 =	sld [smem:$0x3FD9]  }
0x1: {  	s2 =	sld [smem:$0x3FFE];
	_ =	sdelay $0x1  }
0x2: {  	s3 =	srdreg.scid  }
0x3: {  	s0 =	sand.u32 $0x1, s3  }
0x4: {  	s17 =	sshll.u32 s0, $0xA;
	s1 =	sadd.s32 s2, s1  }
0x5: {  	s1 =	sadd.s32 s1, s17  }
0x6: {  	[smem:$0x3FB4] =	sst s1  }
0x7: {  	_ = 	snop  }
0x8: {  	(tm) =	ssettm $0x1  }
0x9: {  	s18 =	sld [smem:$0x3FFB];
	_ =	sdelay $0x3  }
0xa: {  	_ =	strace s18  }
0xb: {  	s1 =	sld [smem:$0x3FFC];
	_ =	sdelay $0x3  }
0xc: {  	_ =	strace s1  }
0xd: {  	s1 =	sld [smem:$0x3FFD];
	_ =	sdelay $0x3  }
0xe: {  	_ =	strace s1  }
0xf: {  	_ =	strace $0x8FFFFFFF  }
0x10: {  	s19 =	sld [smem:$0x3FDB];
	_ =	sdelay $0x1  }
0x11: {  	s20 =	simm.s32 $_scs_section_size  }
0x12: {  	s4 =	simm.s32 $_size__tile_overlayer_lowered;
	s5 =	simm.s32 $_tile_overlayer_lowered  }
0x13: {  	s23 =	simm.s32 $0x1BFF;
	s22 =	sshll.u32 s5, $0x1;
	s1 =	sadd.s32 s20, s19  }
0x14: {  	s6 =	simm.s32 $0x0;
	s21 =	sshll.u32 s4, $0x1;
	s4 =	sadd.s32 s22, s1  }
0x15: {  	[timem:s6], [sflag:s23] =	dma.local [hbm:s4], s21  }
0x16: {  	_ =	swait.ge [sflag:s23], s21  }
0x17: {  	s2 =	ssub.s32 $0x0, s21;
	[sflag:s23] =	ssyncset.done $0x0  }
0x18: {  	[sflag:s23] =	ssyncadd.s32 s2;
	_ =	sdelay $0x1  }
0x19: {  	s24 =	simm.s32 $0x1B8B  }
0x1a: {  	_ =	swait.ge [sflag:s24], $0x1  }
0x1b: {  	[sflag:s24] =	ssyncset.done $0x0  }
0x1c: {  	s26 =	simm.s32 $0x1B8E;
	s25 =	sld [smem:$0x3FFE];
	[sflag:s24] =	ssyncadd.s32 $0xFFFFFFFF  }
0x1d: {  	s27 =	simm.s32 $execute0_lowered;
	[smem:$0x3FD2] =	sst s26  }
0x1e: {  	s4 =	sshll.u32 s27, $0x1;
	_ =	strace $0x80000049;
	[dreg:$0x1] =	wrdreg $0xFFFFFFFF  }
0x1f: {  	s28 =	simm.s32 $_size_execute0_lowered;
	s1 =	sadd.s32 s1, s4;
	[dreg:$0x0] =	wrdreg $0x0  }
0x20: {  	s4 =	sshll.u32 s28, $0x1;
	[dreg:$0x2] =	wrdreg s1  }
0x21: {  	[dreg:$0x3] =	wrdreg s4  }
0x22: {  	[dreg:$0x4] =	wrdreg $0xC0  }
0x23: {  	_ =	task [dreg:s6], $0x5FFFF  }
0x24: {  	[dreg:$0x1] =	wrdreg $0xFFFFFFFF  }
0x25: {  	[dreg:$0x0] =	wrdreg $0x60  }
0x26: {  	[dreg:$0x2] =	wrdreg s25  }
0x27: {  	[dreg:$0x3] =	wrdreg $0xA  }
0x28: {  	_ =	task.clear_ibuf [dreg:s6], $0x4FFFF;
	_ =	strace $0x90000049  }
0x29: {  	s29 =	simm.s32 $0xA;
	_ =	strace $0x8000004B  }
0x2a: {  	_ =	swait.ge [sflag:s29], $0x1  }
0x2b: {  	[sflag:s29] =	ssyncadd.s32 $0xFFFFFFFF  }
0x2c: {  	_ =	strace $0x9000004B  }
0x2d: {  	_ =	sfence  }
0x2e: {  	s30 =	sld [smem:$0x0];
	_ =	sdelay $0x2  }
0x2f: {  	s31 =	sshll.u32 s3, $0xD;
	s3 =	sshrl.u32 s3, $0x2  }
0x30: {  	s2 =	sand.u32 $0x4000, s31;
	s1 =	sadd.s32 s3, s30  }
0x31: {  	s0 =	sor.u32 s2, s0;
	s1 =	sshll.u32 s1, $0x11  }
0x32: {  	s0 =	sor.u32 s1, s0  }
0x33: {  	s0 =	sadd.s32 $0x8F2B, s0  }
0x34: {  	[sflag:s0] =	ssyncadd.remote.s32 $0x1  }
0x35: {  	_ =	sfence.sel $0xFFFF  }
0x36: {  	[dreg:$0x0] =	wrdreg $0xFFFFFFFF;
	(pc) =	sbr.abs _section_cstart, $3  }
0x37: {  	[dreg:$0x1] =	wrdreg $0xFFFFFFFF  }
0x38: {  	_ =	task.clear_ibuf [dreg:s6], $0x2FFFF;
	_ =	strace $0x9FFFFFFF  }
0x39: {  	(tm) =	ssettm $0x7FFFFFFF  }
tec
execute0_lowered:
.L_overlay_start_1:
0x0: {  	(tag) =	ssettag $0x1  }
0x1: {  	s0 =	srdreg.scid  }
0x2: {  	s1 =	sshll.u32 s0, $0x4  }
0x3: {  	s4 =	rddreg [dreg:$0x0];
	s0 =	stileid.u32;
	s1 =	sand.u32 $0x10, s1  }
0x4: {  	s7 =	simm.s32 $0x1;
	s8 =	simm.s32 $0x2;
	s2 =	sor.u32 s0, s1  }
0x5: {  	s11 =	simm.s32 $0x0;
	s10 =	simm.s32 $0x0;
	s2 =	sshll.u32 s2, $0x7  }
0x6: {  	s3 =	sadd.s32 $0x4EF600, s4;
	s4 =	sadd.s32 $0xD600, s4;
	s6 =	ssub.s32 $0x4E200, s2  }
.Ltmp0:
0x7: {  	s1 =	rddreg [dreg:$0x1];
	s5 =	sand.u32 $0xF80, s6;
	(pc) =	sbr.rel .LBB1_1-.Ltmp0, $4  }
0x8: {  	_ =	strace $0x8000004A;
	s9 =	smov.u32 s2;
	p0 =	sne.s32 s5, $0x0  }
0x9: {  	s6 =	sshrl.u32 s6, $0xC;
	s5 =	simm.s32 $0x1;
	s7 =	simm.s32 @!p0 $0x0  }
0xa: {  	[sflag:s5] =	ssyncpa.u1 $0x0;
	p0 =	por $0x0, $0x0;
	s6 =	sadd.s32 s7, s6  }
0xb: {  	[sflag:s8] =	ssyncpa.u1 $0x0;
	s8 =	simm.s32 $0x271000;
	s7 =	sadd.s32 $0x1, s6  }
.LBB1_4:
0xc: {  	s14 =	sshll.u32 s11, $0x3  }
0xd: {  	s30 =	sand.u32 $0x7F, s11;
	s14 =	sand.u32 $0xFFFFFC00, s14  }
0xe: {  	s11 =	sor.u32 s30, s14  }
0xf: {  	s15 =	smulhi.u32 $0xD1B71759, s11;
	_ =	sdelay $0x1  }
0x10: {  	s14 =	smulhi.u32 $0xD1B71759, s14;
	s15 =	sshrl.u32 s15, $0x12  }
0x11: {  	s15 =	smul.u32 $0x4E200, s15  }
0x12: {  	s14 =	sshrl.u32 s14, $0x12  }
0x13: {  	s14 =	sand.u32 $0x3F, s14;
	s11 =	ssub.s32 s11, s15  }
0x14: {  	[tilespmem:s13+$0x810 ss:$0x81] =	vst.msk $0xffff, v2;
	s14 =	smul.u32 $0x9C40, s14;
	s15 =	sshrl.u32 s11, $0x3;
	s11 =	sand.u32 $0x7, s11  }
0x15: {  	[tilespmem:s13+$0x1020 ss:$0x81] =	vst.msk $0xffff, v0;
	s15 =	sadd.s32 s4, s15;
	s11 =	sshll.u32 s11, $0x12  }
0x16: {  	[tilespmem:s13+$0x0 ss:$0x81] =	vst.msk $0xffff, v1;
	s31 =	sadd.s32 s14, s15;
	s11 =	sor.u32 $0x400, s11  }
0x17: {  	[hbm4b:s31+s11] =	stream.strided.scatter [tilespmem:s12], [sflag:$0x2], $0x2000, s8, s11, $0x20;
	[tilespmem:$0x8080] =	vst v63  }
.LBB1_5:
0x18: {  	s13 =	sadd.s32 $0x1000, s9  }
0x19: {  	p2 =	sgt.s32 s13, $0x4E1FF  }
0x1a: {  	s13 =	smov.u32 @p2 s2;
	p2 =	sne.s32 s10, s7  }
.Ltmp1:
0x1b: {  	p1 =	slt.u32 s10, $0x2;
	(pc) =	sbr.rel @!p2 .LBB1_6-.Ltmp1, $4  }
0x1c: {  	s12 =	simm.s32 @!p1 $0x2  }
0x1d: {  	s14 =	sadd.s32 $0x1, s10;
	_ =	swait.ge @!p1 [sflag:s12], $0x2000  }
0x1e: {  	s11 =	smov.u32 s9;
	p0 =	por !p0, !p0;
	[sflag:s12] =	ssyncset.done @!p1 $0x0  }
0x1f: {  	s10 =	smov.u32 s14;
	s9 =	smov.u32 s13;
	[sflag:s12] =	ssyncadd.s32 @!p1 $0xFFFFE000  }
.LBB1_1:
0x20: {  	p1 =	sge.u32 s10, s6  }
0x21: {  	s12 =	sand.u32 @!p1 $0x1FFFFFF, s9  }
0x22: {  	s13 =	smulhi.u32 @!p1 $0x1A36E2F, s12;
	_ =	sdelay $0x1  }
0x23: {  	s13 =	sshrl.u32 @!p1 s13, $0xB  }
0x24: {  	s13 =	smul.u32 @!p1 $0x4E200, s13;
	_ =	sdelay $0x1  }
0x25: {  	s31 =	sadd.s32 $0xFFFFFFFF, s10;
	s14 =	sxor.u32 @!p1 $0xFFFFFFFF, s10;
	s12 =	ssub.s32 @!p1 s12, s13  }
0x26: {  	s15 =	simm.s32 @!p1 $0x80;
	s14 =	sshll.u32 @!p1 s14, $0xD;
	s12 =	sshll.u32 @!p1 s12, $0x4  }
0x27: {  	s13 =	sand.u32 @!p1 $0x2000, s14;
	s14 =	simm.s32 @!p1 $0x40;
	s12 =	sadd.s32 @!p1 s3, s12  }
0x28: {  	[tilespmem:s13], [sflag:$0x1] =	stream.strided.gather @!p1 [hbm4b:s12+s14], $0x2000, s15, s14, $0x38;
	[tilespmem:$0x8080] =	vst v63  }
0x29: {  	p1 =	sge.u32 s31, s6  }
.Ltmp2:
0x2a: {  	_ = 	snop;
	(pc) =	sbr.rel @p1 .LBB1_5-.Ltmp2, $1  }
0x2b: {  	_ =	sdelay $0x3  }
0x2c: {  	s12 =	simm.s32 $0x1  }
0x2d: {  	_ =	swait.ge [sflag:s5], $0x2000;
	s12 =	simm.s32 @!p0 $0x0  }
0x2e: {  	[sflag:s5] =	ssyncset.done $0x0;
	s13 =	sshll.u32 s12, $0xD  }
0x2f: {  	[sflag:s5] =	ssyncadd.s32 $0xFFFFE000;
	s16 =	sor.u32 $0x20, s13  }
0x30: {  	s12 =	smul.u32 $0x8100, s12;
	v3 =	vld [tilespmem:s16+$0x10]  }
0x31: {  	s30 =	sand.u32 $0x1, s10;
	v2 =	vld [tilespmem:s16+$0xFFFFFFF0]  }
0x32: {  	s13 =	smul.u32 $0x8100, s30;
	s12 =	sshrl.u32 s12, $0x2;
	v0 =	vld [tilespmem:s16+$0x0]  }
0x33: {  	v1 =	vld [tilespmem:s16+$0xFFFFFFE0];
	s14 =	sor.u32 $0x4000, s12  }
0x34: {  	s31 =	sshrl.u32 s13, $0x2;
	s13 =	sadd.s32 $0x0, s14  }
0x35: {  	s15 =	simm.s32 $0x4;
	s16 =	sadd.s32 $0x40, s16;
	s12 =	sor.u32 $0x4000, s31;
	[tilespmem:s13+$0x1830 ss:$0x81] =	vst.msk $0xffff, v3  }
.LBB1_3:
0x36: {  	v3 =	vld [tilespmem:s16+$0x10];
	p1 =	sne.s32 s15, $0x1FC;
	[tilespmem:s13+$0x810 ss:$0x81] =	vst.msk $0xffff, v2;
	s17 =	smov.u32 s15;
	s15 =	sadd.s32 $0x4, s15  }
.Ltmp3:
0x37: {  	v2 =	vld [tilespmem:s16+$0xFFFFFFF0];
	[tilespmem:s13+$0x1020 ss:$0x81] =	vst.msk $0xffff, v0;
	(pc) =	sbr.rel @p1 .LBB1_3-.Ltmp3, $4  }
0x38: {  	v0 =	vld [tilespmem:s16+$0x0];
	[tilespmem:s13+$0x0 ss:$0x81] =	vst.msk $0xffff, v1  }
0x39: {  	s13 =	sshra.s32 s17, $0x2;
	v1 =	vld [tilespmem:s16+$0xFFFFFFE0]  }
0x3a: {  	s13 =	sadd.s32 s13, s14  }
0x3b: {  	s16 =	sadd.s32 $0x40, s16;
	[tilespmem:s13+$0x1830 ss:$0x81] =	vst.msk $0xffff, v3  }
.Ltmp4:
0x3c: {  	_ = 	snop;
	(pc) =	sbr.rel .LBB1_4-.Ltmp4, $1  }
0x3d: {  	_ =	sdelay $0x3  }
.LBB1_6:
0x3e: {  	_ =	sfence.sel $0x180000  }
0x3f: {  	s2 =	simm.s32 $0x1;
	[bflag:$0x0] =	sbarrier.arrive $0xFFFF  }
0x40: {  	s31 =	simm.s32 $0x2;
	[sflag:s2] =	ssyncpa.u1 $0x1  }
0x41: {  	[sflag:s31] =	ssyncpa.u1 $0x1  }
0x42: {  	p0 =	sne.s32 s0, $0x0;
	_ =	strace $0x9000004A  }
0x43: {  	s0 =	sadd.s32 @!p0 $0x100000, s1;
	[bflag:$0x2] =	sbarrier.arrive $0xFFFF  }
0x44: {  	[sflag:s0] =	ssyncadd.tile.s32 @!p0 $0x1;
	_ =	shalt  }
.Lfunc_end1:
_tile_overlayer_lowered:
.L_overlay_start_2:
0x45: {  	(tag) =	ssettag $0x2  }
0x46: {  	s0 =	rddreg [dreg:$0x0];
	s2 =	stileid.u32  }
0x47: {  	s1 =	rddreg [dreg:$0x1];
	p0 =	sne.s32 s2, $0x0  }
0x48: {  	s3 =	rddreg [dreg:$0x2];
	[bflag:$0x3] =	sbarrier.arrive $0xFFFF;
	s2 =	simm.s32 @!p0 $0x1C01  }
0x49: {  	[timem:s3], [sflag:s2] =	dma.local @!p0 [hbm:s0], s1  }
0x4a: {  	s0 =	simm.s32 @!p0 $0x1  }
0x4b: {  	_ =	swait.ge @!p0 [sflag:s0], s1  }
0x4c: {  	s1 =	ssub.s32 @!p0 $0x0, s1;
	[sflag:s0] =	ssyncset.done @!p0 $0x0  }
0x4d: {  	[sflag:s0] =	ssyncadd.s32 @!p0 s1  }
0x4e: {  	[bflag:$0x3] =	sbarrier.arrive $0xFFFF  }
0x4f: {  	_ =	shalt  }

// kernel: sparse-core-data-format-call.cloned.1.call-start
scs
called_computation_lowered:
.L_overlay_start_0:
0x0: {  	s2 =	sld [smem:$0x3FD9]  }
0x1: {  	s3 =	sld [smem:$0x3FFE];
	_ =	sdelay $0x1  }
0x2: {  	s1 =	srdreg.scid  }
0x3: {  	s0 =	sand.u32 $0x1, s1  }
0x4: {  	s16 =	sshll.u32 s0, $0xA;
	s2 =	sadd.s32 s3, s2  }
0x5: {  	s2 =	sadd.s32 s2, s16  }
0x6: {  	[smem:$0x3FB4] =	sst s2  }
0x7: {  	_ = 	snop  }
0x8: {  	s2 =	sld [smem:$0x3FD0];
	_ =	sdelay $0x2  }
0x9: {  	s17 =	simm.s32 $0xB;
	s4 =	simm.s32 $0x10  }
0xa: {  	[smem:s4], [sflag:s17] =	dma.local [hbm:s2], $0x1  }
0xb: {  	_ =	swait.eq [sflag:s17], $0x1  }
0xc: {  	[sflag:s17] =	ssyncset.done $0x0  }
0xd: {  	[sflag:s17] =	ssyncadd.s32 $0xFFFFFFFF  }
0xe: {  	s18 =	sld [smem:$0x11];
	(tm) =	ssettm $0x1  }
0xf: {  	s19 =	sld [smem:$0x3FFB];
	_ =	sdelay $0x3  }
0x10: {  	_ =	strace s19  }
0x11: {  	s2 =	sld [smem:$0x3FFC];
	_ =	sdelay $0x3  }
0x12: {  	_ =	strace s2  }
0x13: {  	s2 =	sld [smem:$0x3FFD];
	_ =	sdelay $0x3  }
0x14: {  	_ =	strace s2  }
0x15: {  	_ =	strace $0x8FFFFFFF  }
0x16: {  	s20 =	sld [smem:$0x3FDB];
	_ =	sdelay $0x1  }
0x17: {  	s21 =	simm.s32 $_scs_section_size  }
0x18: {  	s5 =	simm.s32 $_size__tile_overlayer_lowered;
	s6 =	simm.s32 $_tile_overlayer_lowered  }
0x19: {  	s7 =	simm.s32 $0x1BFF;
	s22 =	sshll.u32 s6, $0x1;
	s4 =	sadd.s32 s21, s20  }
0x1a: {  	s23 =	simm.s32 $0x0;
	s5 =	sshll.u32 s5, $0x1;
	s6 =	sadd.s32 s22, s4  }
0x1b: {  	[timem:s23], [sflag:s7] =	dma.local [hbm:s6], s5  }
0x1c: {  	_ =	swait.ge [sflag:s7], s5  }
0x1d: {  	s5 =	ssub.s32 $0x0, s5;
	[sflag:s7] =	ssyncset.done $0x0  }
0x1e: {  	[sflag:s7] =	ssyncadd.s32 s5;
	_ =	sdelay $0x1  }
0x1f: {  	s24 =	simm.s32 $0x1B8B  }
0x20: {  	_ =	swait.ge [sflag:s24], $0x1  }
0x21: {  	[sflag:s24] =	ssyncset.done $0x0  }
0x22: {  	[sflag:s24] =	ssyncadd.s32 $0xFFFFFFFF  }
0x23: {  	s5 =	sld [smem:$0x0]  }
0x24: {  	s6 =	sand.u32 $0xFFFFFFFE, s1  }
0x25: {  	p0 =	sne.s32 s1, s6  }
0x26: {  	s6 =	sshll.u32 @p0 s6, $0xE  }
0x27: {  	s6 =	sadd.s32 @p0 $0x11B8D, s6;
	s7 =	sshll.u32 @p0 s5, $0x11  }
0x28: {  	s6 =	sor.u32 @p0 s7, s6  }
0x29: {  	[sflag:s6] =	ssyncadd.remote.s32 @p0 $0x1;
	_ =	sdelay $0x1  }
0x2a: {  	s6 =	simm.s32 @p0 $0x1B8D  }
0x2b: {  	_ =	swait.eq @p0 [sflag:s6], $0x1  }
0x2c: {  	[sflag:s6] =	ssyncadd.s32 @p0 $0xFFFFFFFF  }
0x2d: {  	s7 =	sshll.u32 @!p0 s1, $0xE  }
0x2e: {  	s7 =	sor.u32 @!p0 $0x4000, s7;
	s6 =	simm.s32 @!p0 $0x1B8D  }
0x2f: {  	s5 =	sshll.u32 @!p0 s5, $0x11;
	s7 =	sadd.s32 @!p0 $0x11B8D, s7;
	_ =	swait.eq @!p0 [sflag:s6], $0x1  }
0x30: {  	s5 =	sor.u32 @!p0 s5, s7;
	[sflag:s6] =	ssyncadd.s32 @!p0 $0xFFFFFFFF  }
0x31: {  	s26 =	simm.s32 $0x1B8E;
	s25 =	sld [smem:$0x3FFE];
	[sflag:s5] =	ssyncadd.remote.s32 @!p0 $0x1  }
0x32: {  	s27 =	simm.s32 $execute0_lowered;
	[smem:$0x3FD2] =	sst s26  }
0x33: {  	s6 =	sshll.u32 s27, $0x1;
	_ =	strace $0x80000052;
	[dreg:$0x1] =	wrdreg $0xFFFFFFFF  }
0x34: {  	s28 =	simm.s32 $_size_execute0_lowered;
	s4 =	sadd.s32 s4, s6;
	[dreg:$0x0] =	wrdreg $0x0  }
0x35: {  	s6 =	sshll.u32 s28, $0x1;
	[dreg:$0x2] =	wrdreg s4  }
0x36: {  	[dreg:$0x3] =	wrdreg s6  }
0x37: {  	[dreg:$0x4] =	wrdreg $0xC0  }
0x38: {  	_ =	task [dreg:s23], $0x5FFFF  }
0x39: {  	[dreg:$0x1] =	wrdreg $0xFFFFFFFF  }
0x3a: {  	[dreg:$0x0] =	wrdreg $0x60  }
0x3b: {  	[dreg:$0x2] =	wrdreg s25  }
0x3c: {  	[dreg:$0x3] =	wrdreg s18  }
0x3d: {  	[dreg:$0x4] =	wrdreg $0x9  }
0x3e: {  	_ =	task.clear_ibuf [dreg:s23], $0x5FFFF;
	_ =	strace $0x90000052  }
0x3f: {  	s29 =	simm.s32 $0x9;
	_ =	strace $0x80000054  }
0x40: {  	_ =	swait.ge [sflag:s29], $0x1  }
0x41: {  	[sflag:s29] =	ssyncadd.s32 $0xFFFFFFFF  }
0x42: {  	_ =	strace $0x90000054  }
0x43: {  	_ =	sfence  }
0x44: {  	s30 =	sld [smem:$0x0];
	_ =	sdelay $0x2  }
0x45: {  	s31 =	sshll.u32 s1, $0xD;
	s1 =	sshrl.u32 s1, $0x2  }
0x46: {  	s4 =	sand.u32 $0x4000, s31;
	s1 =	sadd.s32 s1, s30  }
0x47: {  	s0 =	sor.u32 s4, s0;
	s1 =	sshll.u32 s1, $0x11  }
0x48: {  	s0 =	sor.u32 s1, s0  }
0x49: {  	s0 =	sadd.s32 $0x8F2B, s0  }
0x4a: {  	[sflag:s0] =	ssyncadd.remote.s32 $0x1  }
0x4b: {  	_ =	sfence.sel $0xFFFF  }
0x4c: {  	[dreg:$0x0] =	wrdreg $0xFFFFFFFF;
	(pc) =	sbr.abs _section_cstart, $3  }
0x4d: {  	[dreg:$0x1] =	wrdreg $0xFFFFFFFF  }
0x4e: {  	_ =	task.clear_ibuf [dreg:s23], $0x2FFFF;
	_ =	strace $0x9FFFFFFF  }
0x4f: {  	(tm) =	ssettm $0x7FFFFFFF  }
tec
execute0_lowered:
.L_overlay_start_1:
0x0: {  	(tag) =	ssettag $0x1  }
0x1: {  	s0 =	srdreg.scid  }
0x2: {  	s5 =	rddreg [dreg:$0x0];
	s1 =	sshll.u32 s0, $0x4  }
0x3: {  	s2 =	rddreg [dreg:$0x1];
	s0 =	stileid.u32;
	s1 =	sand.u32 $0x10, s1  }
0x4: {  	s4 =	simm.s32 $0x1;
	s8 =	simm.s32 $0x2;
	s1 =	sor.u32 s0, s1  }
0x5: {  	s12 =	simm.s32 $0x0;
	s11 =	simm.s32 $0x0;
	s3 =	sshll.u32 s1, $0x7  }
0x6: {  	s9 =	simm.s32 $0x0;
	s10 =	simm.s32 $0x0;
	s6 =	ssub.s32 $0x4E200, s3  }
.Ltmp0:
0x7: {  	s1 =	rddreg [dreg:$0x2];
	s7 =	sand.u32 $0xF80, s6;
	(pc) =	sbr.rel .LBB1_1-.Ltmp0, $4  }
0x8: {  	_ =	strace $0x80000053;
	p0 =	sne.s32 s7, $0x0;
	s7 =	simm.s32 $0x1  }
0x9: {  	[sflag:s4] =	ssyncpa.u1 $0x0;
	s6 =	sshrl.u32 s6, $0xC;
	s7 =	simm.s32 @!p0 $0x0  }
0xa: {  	s5 =	sadd.s32 $0xD600, s5;
	[sflag:s8] =	ssyncpa.u1 $0x0;
	s6 =	sadd.s32 s7, s6  }
0xb: {  	s8 =	smov.u32 s3;
	p0 =	por $0x0, $0x0;
	s7 =	sadd.s32 $0x1, s6  }
.LBB1_4:
0xc: {  	s12 =	sshll.u32 s12, $0x7;
	s18 =	sshll.u32 s11, $0x3  }
0xd: {  	v5 =	vld [tilespmem:s16+$0xFFFFFFD0];
	[tilespmem:s15+$0x2040 ss:$0x81] =	vst.msk $0xffff, v4;
	s19 =	sand.u32 $0xFFFFFC00, s12;
	s18 =	sand.u32 $0xFFFFFC00, s18  }
0xe: {  	v58 =	vld [tilespmem:s16+$0xFFFFFFE0];
	[tilespmem:s15+$0x2850 ss:$0x81] =	vst.msk $0xffff, v3;
	s12 =	sand.u32 $0x380, s12;
	s18 =	sadd.s32 s18, s19  }
0xf: {  	s17 =	sshra.s32 s17, $0x2;
	v59 =	vld [tilespmem:s16+$0xFFFFFFF0];
	[tilespmem:s15+$0x3060 ss:$0x81] =	vst.msk $0xffff, v2;
	s12 =	sor.u32 s12, s18  }
0x10: {  	v60 =	vld [tilespmem:s16+$0x0];
	[tilespmem:s15+$0x0 ss:$0x81] =	vst.msk $0xffff, v0;
	s14 =	sadd.s32 s17, s14;
	s12 =	sshrl.u32 s12, $0x7  }
0x11: {  	v61 =	vld [tilespmem:s16+$0x10];
	[tilespmem:s14+$0x3870 ss:$0x81] =	vst.msk $0xffff, v1;
	s28 =	smulhi.u32 $0x1A36E2F, s12  }
0x12: {  	v62 =	vld [tilespmem:s16+$0x20];
	[tilespmem:s14+$0x810 ss:$0x81] =	vst.msk $0xffff, v5  }
0x13: {  	v63 =	vld [tilespmem:s16+$0xFFFFFFC0];
	[tilespmem:s14+$0x1020 ss:$0x81] =	vst.msk $0xffff, v58;
	s15 =	sshrl.u32 s28, $0xB  }
0x14: {  	[tilespmem:s14+$0x1830 ss:$0x81] =	vst.msk $0xffff, v59;
	s15 =	smul.u32 $0x4E200, s15  }
0x15: {  	s29 =	sshrl.u32 s11, $0x3;
	[tilespmem:s14+$0x2040 ss:$0x81] =	vst.msk $0xffff, v60  }
0x16: {  	s30 =	sand.u32 $0xF, s29;
	[tilespmem:s14+$0x2850 ss:$0x81] =	vst.msk $0xffff, v61;
	s12 =	ssub.s32 s12, s15  }
0x17: {  	[tilespmem:s14+$0x3060 ss:$0x81] =	vst.msk $0xffff, v62;
	s15 =	sadd.s32 s2, s30;
	s12 =	sshll.u32 s12, $0x4  }
0x18: {  	s31 =	sand.u32 $0x7, s11;
	[tilespmem:s14+$0x0 ss:$0x81] =	vst.msk $0xffff, v63;
	s12 =	sadd.s32 s12, s15  }
0x19: {  	[hbm4b:s12+s31] =	stream.linear.scatter [tilespmem:s13], [sflag:$0x2], $0x4000, $0x20;
	[tilespmem:$0x10100] =	vst v63  }
.LBB1_5:
0x1a: {  	s13 =	sadd.s32 $0x1000, s8  }
0x1b: {  	s11 =	sadd.s32 $0x80, s9;
	s15 =	smov.u32 s9;
	p2 =	sgt.s32 s13, $0x4E1FF  }
0x1c: {  	s15 =	smov.u32 @p2 s11  }
0x1d: {  	s13 =	smov.u32 @p2 s3;
	p2 =	sgt.s32 s15, $0x7F  }
0x1e: {  	s15 =	simm.s32 @p2 $0x0;
	p2 =	sne.s32 s10, s7  }
.Ltmp1:
0x1f: {  	p1 =	slt.u32 s10, $0x2;
	(pc) =	sbr.rel @!p2 .LBB1_6-.Ltmp1, $4  }
0x20: {  	s14 =	simm.s32 @!p1 $0x2  }
0x21: {  	s12 =	smov.u32 s8;
	p0 =	por !p0, !p0;
	_ =	swait.ge @!p1 [sflag:s14], $0x4000  }
0x22: {  	s11 =	smov.u32 s9;
	[sflag:s14] =	ssyncset.done @!p1 $0x0;
	s8 =	smov.u32 s13  }
0x23: {  	s10 =	sadd.s32 $0x1, s10;
	[sflag:s14] =	ssyncadd.s32 @!p1 $0xFFFFC000;
	s9 =	smov.u32 s15  }
.LBB1_1:
0x24: {  	p1 =	sge.u32 s10, s6  }
0x25: {  	s13 =	sshrl.u32 @!p1 s9, $0x3  }
0x26: {  	s14 =	sshll.u32 @!p1 s8, $0x3;
	s13 =	smul.u32 @!p1 $0x271000, s13  }
0x27: {  	s15 =	sshll.u32 @!p1 s9, $0x7;
	s14 =	sand.u32 @!p1 $0xFFFFFC00, s14  }
0x28: {  	s13 =	sadd.s32 @!p1 s13, s14;
	s14 =	sand.u32 @!p1 $0x380, s15  }
0x29: {  	s15 =	sand.u32 @!p1 $0x7F, s8;
	s13 =	sor.u32 @!p1 s14, s13  }
0x2a: {  	s14 =	sor.u32 @!p1 s15, s13  }
0x2b: {  	s15 =	smulhi.u32 @!p1 $0xD1B71759, s14;
	_ =	sdelay $0x1  }
0x2c: {  	s13 =	smulhi.u32 @!p1 $0xD1B71759, s13;
	s15 =	sshrl.u32 @!p1 s15, $0x12  }
0x2d: {  	s15 =	smul.u32 @!p1 $0x4E200, s15  }
0x2e: {  	s31 =	sadd.s32 $0xFFFFFFFF, s10;
	s16 =	sxor.u32 @!p1 $0xFFFFFFFF, s10;
	s13 =	sshrl.u32 @!p1 s13, $0x12  }
0x2f: {  	s16 =	sshll.u32 @!p1 s16, $0xE;
	s13 =	sand.u32 @!p1 $0x7F, s13;
	s14 =	ssub.s32 @!p1 s14, s15  }
0x30: {  	s13 =	smul.u32 @!p1 $0x9C40, s13;
	s15 =	sshrl.u32 @!p1 s14, $0x3;
	s14 =	sand.u32 @!p1 $0x7, s14  }
0x31: {  	s16 =	sand.u32 @!p1 $0x4000, s16;
	s15 =	sadd.s32 @!p1 s5, s15;
	s14 =	sshll.u32 @!p1 s14, $0x12  }
0x32: {  	s13 =	sadd.s32 @!p1 s13, s15;
	s14 =	sor.u32 @!p1 $0x400, s14;
	s15 =	simm.s32 @!p1 $0x271000  }
0x33: {  	[tilespmem:s16], [sflag:$0x1] =	stream.strided.gather @!p1 [hbm4b:s13+s14], $0x4000, s15, s14, $0x38;
	[tilespmem:$0x10100] =	vst v63  }
0x34: {  	p1 =	sge.u32 s31, s6  }
.Ltmp2:
0x35: {  	_ = 	snop;
	(pc) =	sbr.rel @p1 .LBB1_5-.Ltmp2, $1  }
0x36: {  	_ =	sdelay $0x3  }
0x37: {  	s13 =	simm.s32 $0x1  }
0x38: {  	_ =	swait.ge [sflag:s4], $0x4000;
	s13 =	simm.s32 @!p0 $0x0  }
0x39: {  	[sflag:s4] =	ssyncset.done $0x0;
	s14 =	sshll.u32 s13, $0xE  }
0x3a: {  	[sflag:s4] =	ssyncadd.s32 $0xFFFFC000;
	s16 =	sor.u32 $0x40, s14  }
0x3b: {  	s13 =	smul.u32 $0x10200, s13;
	v0 =	vld [tilespmem:s16+$0x30]  }
0x3c: {  	v1 =	vld [tilespmem:s16+$0xFFFFFFD0]  }
0x3d: {  	s13 =	sshrl.u32 s13, $0x2;
	v5 =	vld [tilespmem:s16+$0xFFFFFFE0]  }
0x3e: {  	v6 =	vld [tilespmem:s16+$0xFFFFFFF0];
	s14 =	sor.u32 $0x8000, s13  }
0x3f: {  	s31 =	sand.u32 $0x1, s10;
	v4 =	vld [tilespmem:s16+$0x0];
	s15 =	sadd.s32 $0x0, s14  }
0x40: {  	v3 =	vld [tilespmem:s16+$0x10];
	s13 =	smul.u32 $0x10200, s31;
	[tilespmem:s15+$0x3870 ss:$0x81] =	vst.msk $0xffff, v0  }
0x41: {  	v2 =	vld [tilespmem:s16+$0x20];
	[tilespmem:s15+$0x810 ss:$0x81] =	vst.msk $0xffff, v1  }
0x42: {  	s13 =	sshrl.u32 s13, $0x2;
	v0 =	vld [tilespmem:s16+$0xFFFFFFC0];
	[tilespmem:s15+$0x1020 ss:$0x81] =	vst.msk $0xffff, v5;
	s16 =	sadd.s32 $0x80, s16  }
0x43: {  	s17 =	simm.s32 $0x4;
	s18 =	simm.s32 $0x8;
	s13 =	sor.u32 $0x8000, s13;
	[tilespmem:s15+$0x1830 ss:$0x81] =	vst.msk $0xffff, v6;
	v1 =	vld [tilespmem:s16+$0x30]  }
.LBB1_3:
0x44: {  	p1 =	sne.s32 s18, $0x1FC;
	v5 =	vld [tilespmem:s16+$0xFFFFFFD0];
	[tilespmem:s15+$0x2040 ss:$0x81] =	vst.msk $0xffff, v4  }
0x45: {  	v6 =	vld [tilespmem:s16+$0xFFFFFFE0];
	[tilespmem:s15+$0x2850 ss:$0x81] =	vst.msk $0xffff, v3  }
0x46: {  	s19 =	sshra.s32 s17, $0x2;
	s17 =	smov.u32 s18;
	v7 =	vld [tilespmem:s16+$0xFFFFFFF0];
	[tilespmem:s15+$0x3060 ss:$0x81] =	vst.msk $0xffff, v2  }
.Ltmp3:
0x47: {  	v4 =	vld [tilespmem:s16+$0x0];
	[tilespmem:s15+$0x0 ss:$0x81] =	vst.msk $0xffff, v0;
	s15 =	sadd.s32 s19, s14;
	(pc) =	sbr.rel @p1 .LBB1_3-.Ltmp3, $4  }
0x48: {  	v3 =	vld [tilespmem:s16+$0x10];
	[tilespmem:s15+$0x3870 ss:$0x81] =	vst.msk $0xffff, v1  }
0x49: {  	[tilespmem:s15+$0x810 ss:$0x81] =	vst.msk $0xffff, v5;
	v2 =	vld [tilespmem:s16+$0x20]  }
0x4a: {  	v0 =	vld [tilespmem:s16+$0xFFFFFFC0];
	[tilespmem:s15+$0x1020 ss:$0x81] =	vst.msk $0xffff, v6;
	s16 =	sadd.s32 $0x80, s16  }
0x4b: {  	s18 =	sadd.s32 $0x4, s18;
	v1 =	vld [tilespmem:s16+$0x30];
	[tilespmem:s15+$0x1830 ss:$0x81] =	vst.msk $0xffff, v7  }
.Ltmp4:
0x4c: {  	_ = 	snop;
	(pc) =	sbr.rel .LBB1_4-.Ltmp4, $1  }
0x4d: {  	_ =	sdelay $0x3  }
.LBB1_6:
0x4e: {  	_ =	sfence.sel $0x180000  }
0x4f: {  	s2 =	simm.s32 $0x1;
	[bflag:$0x0] =	sbarrier.arrive $0xFFFF  }
0x50: {  	s31 =	simm.s32 $0x2;
	[sflag:s2] =	ssyncpa.u1 $0x1  }
0x51: {  	[sflag:s31] =	ssyncpa.u1 $0x1  }
0x52: {  	p0 =	sne.s32 s0, $0x0;
	_ =	strace $0x90000053  }
0x53: {  	s0 =	sadd.s32 @!p0 $0x100000, s1;
	[bflag:$0x2] =	sbarrier.arrive $0xFFFF  }
0x54: {  	[sflag:s0] =	ssyncadd.tile.s32 @!p0 $0x1;
	_ =	shalt  }
.Lfunc_end1:
_tile_overlayer_lowered:
.L_overlay_start_2:
0x55: {  	(tag) =	ssettag $0x2  }
0x56: {  	s0 =	rddreg [dreg:$0x0];
	s2 =	stileid.u32  }
0x57: {  	s1 =	rddreg [dreg:$0x1];
	p0 =	sne.s32 s2, $0x0  }
0x58: {  	s3 =	rddreg [dreg:$0x2];
	[bflag:$0x3] =	sbarrier.arrive $0xFFFF;
	s2 =	simm.s32 @!p0 $0x1C01  }
0x59: {  	[timem:s3], [sflag:s2] =	dma.local @!p0 [hbm:s0], s1  }
0x5a: {  	s0 =	simm.s32 @!p0 $0x1  }
0x5b: {  	_ =	swait.ge @!p0 [sflag:s0], s1  }
0x5c: {  	s1 =	ssub.s32 @!p0 $0x0, s1;
	[sflag:s0] =	ssyncset.done @!p0 $0x0  }
0x5d: {  	[sflag:s0] =	ssyncadd.s32 @!p0 s1  }
0x5e: {  	[bflag:$0x3] =	sbarrier.arrive $0xFFFF  }
0x5f: {  	_ =	shalt  }

</sc_bundles>
